<compile_context>
chip_gen: v7x
topology: tpu7x:2x2x1
jax: 0.10.2.dev20260603
libtpu: 0.0.44.dev20260713+nightly
codegen_flags: <defaults>
</compile_context>

<pallas_src>
import functools

import jax
import jax.numpy as jnp
import numpy as np
from jax import lax
from jax.experimental import pallas as pl
from jax.experimental.pallas import tpu as pltpu
from jax.experimental.pallas import tpu_sc as plsc

N = 262144
ATOM_TYPES = 119
HID = 256
PER_DIM = 8
VPAD = 128

_LUT = np.zeros((ATOM_TYPES,), dtype=np.int32)
for _z, _p in {1: 1, 6: 2, 7: 2, 8: 2, 9: 2, 15: 3, 16: 3, 17: 3}.items():
    _LUT[_z] = _p

_PONEHOT = np.zeros((VPAD, 128), dtype=np.float32)
_PONEHOT[np.arange(ATOM_TYPES), _LUT] = 1.0


def _table_body(atom_pad_ref, period_pad_ref, ponehot_ref, w1_ref, b1_ref,
                w2_ref, b2_ref, out_ref):
    pe = jnp.dot(ponehot_ref[:, :], period_pad_ref[:, :],
                 preferred_element_type=jnp.float32)
    combined = atom_pad_ref[:, :] + pe
    h = lax.dot_general(combined, w1_ref[:, :], (((1,), (1,)), ((), ())),
                        preferred_element_type=jnp.float32)
    h = jnp.maximum(h + b1_ref[:, :], 0.0)
    out = lax.dot_general(h, w2_ref[:, :], (((1,), (1,)), ((), ())),
                          preferred_element_type=jnp.float32)
    out_ref[:, :] = out + b2_ref[:, :]


def _build_table(atom_table, period_table, W1, b1, W2, b2):
    atom_pad = jnp.zeros((VPAD, HID), jnp.float32).at[:ATOM_TYPES, :HID - PER_DIM].set(atom_table)
    period_pad = jnp.zeros((128, HID), jnp.float32).at[:PER_DIM, HID - PER_DIM:].set(period_table)
    ponehot = jnp.asarray(_PONEHOT)
    rep = pl.BlockSpec((VPAD, HID), lambda i: (0, 0))
    return pl.pallas_call(
        _table_body,
        grid=(_NW,),
        in_specs=[rep, rep, pl.BlockSpec((VPAD, 128), lambda i: (0, 0)),
                  pl.BlockSpec((HID, HID), lambda i: (0, 0)),
                  pl.BlockSpec((1, HID), lambda i: (0, 0)),
                  pl.BlockSpec((HID, HID), lambda i: (0, 0)),
                  pl.BlockSpec((1, HID), lambda i: (0, 0))],
        out_specs=pl.BlockSpec((VPAD, HID), lambda i: (i, 0)),
        out_shape=jax.ShapeDtypeStruct((_NW * VPAD, HID), jnp.float32),
    )(atom_pad, period_pad, ponehot, W1, b1.reshape(1, HID), W2,
      b2.reshape(1, HID))


_NC, _NS = 2, 16
_NW = _NC * _NS
_CHUNK = 64
_NBUF = 4
_NCHUNK = N // (_NW * _CHUNK)
_BPW = _CHUNK * _NCHUNK


def _gather_body(table_hbm, idx_hbm, out_hbm, idx_v,
                 buf0, buf1, buf2, buf3,
                 gsem0, gsem1, gsem2, gsem3,
                 ssem0, ssem1, ssem2, ssem3):
    cid = lax.axis_index("c")
    sid = lax.axis_index("s")
    wid = sid * _NC + cid

    pltpu.sync_copy(idx_hbm.at[wid], idx_v)
    off = (wid * VPAD).astype(jnp.int32) if hasattr(wid, 'astype') else wid * VPAD

    def rebase(k, _):
        for g in range(_CHUNK // 16):
            sl = pl.ds(g * 16, 16)
            idx_v[k, sl] = idx_v[k, sl] + off
        return 0

    lax.fori_loop(0, _NCHUNK, rebase, 0)
    base = wid * _BPW
    bufs = (buf0, buf1, buf2, buf3)
    gsems = (gsem0, gsem1, gsem2, gsem3)
    ssems = (ssem0, ssem1, ssem2, ssem3)

    def out_at(k):
        return out_hbm.at[pl.ds(base + k * _CHUNK, _CHUNK)]

    pltpu.async_copy(table_hbm.at[idx_v.at[0]], buf0, gsem0)
    pltpu.async_copy(table_hbm.at[idx_v.at[1]], buf1, gsem1)

    def step(i, _):
        for p in range(_NBUF):
            k = i * _NBUF + p
            pltpu.make_async_copy(table_hbm.at[idx_v.at[k]], bufs[p], gsems[p]).wait()
            pltpu.async_copy(bufs[p], out_at(k), ssems[p])
            p2 = (p + 2) % _NBUF
            k2 = k + 2

            @pl.when(k2 < _NCHUNK)
            def _():
                @pl.when(k2 >= _NBUF)
                def _():
                    pltpu.make_async_copy(bufs[p2], out_at(k2 - _NBUF), ssems[p2]).wait()
                pltpu.async_copy(table_hbm.at[idx_v.at[k2]], bufs[p2], gsems[p2])
        return 0

    lax.fori_loop(0, _NCHUNK // _NBUF, step, 0)
    for p in range(_NBUF):
        k = _NCHUNK - _NBUF + p
        pltpu.make_async_copy(bufs[p], out_at(k), ssems[p]).wait()


def _gather(table, xi):
    return pl.kernel(
        _gather_body,
        mesh=plsc.VectorSubcoreMesh(core_axis_name="c", subcore_axis_name="s"),
        out_type=jax.ShapeDtypeStruct((N, HID), jnp.float32),
        scratch_types=[
            pltpu.VMEM((_NCHUNK, _CHUNK), jnp.int32),
            pltpu.VMEM((_CHUNK, HID), jnp.float32),
            pltpu.VMEM((_CHUNK, HID), jnp.float32),
            pltpu.VMEM((_CHUNK, HID), jnp.float32),
            pltpu.VMEM((_CHUNK, HID), jnp.float32),
            pltpu.SemaphoreType.DMA,
            pltpu.SemaphoreType.DMA,
            pltpu.SemaphoreType.DMA,
            pltpu.SemaphoreType.DMA,
            pltpu.SemaphoreType.DMA,
            pltpu.SemaphoreType.DMA,
            pltpu.SemaphoreType.DMA,
            pltpu.SemaphoreType.DMA,
        ],
    )(table, xi)


def kernel(x, atom_table, period_table, W1, b1, W2, b2):
    table = _build_table(atom_table, period_table, W1, b1, W2, b2)
    xi = x.astype(jnp.int32).reshape(_NW, _NCHUNK, _CHUNK)
    return _gather(table, xi)

# --- scband reference (transcript-rebuilt; emitter-appended) ---
"""Pipeline reference for scband-multi-domain-encoder-54803782697577 (READ-ONLY COPY).

The authoritative reference and input builder live on the scoring server;
editing this copy changes nothing except your own understanding.
"""

import jax, jax.numpy as jnp
import numpy as np

N = 262144
ATOM_TYPES = 119
HID = 256
PER_DIM = 8

def setup_inputs(seed: int = 0) -> dict:
    key = jax.random.key(seed)
    ks = jax.random.split(key, 8)
    x = jax.random.randint(ks[0], (N,), 0, ATOM_TYPES, dtype=jnp.int64)
    atom_table = jax.random.normal(ks[1], (ATOM_TYPES, HID - PER_DIM), dtype=jnp.float32) * 0.02
    period_table = jax.random.normal(ks[2], (8, PER_DIM), dtype=jnp.float32) * 0.02
    W1 = jax.random.normal(ks[3], (HID, HID), dtype=jnp.float32) * (1.0 / np.sqrt(HID))
    b1 = jnp.zeros((HID,), dtype=jnp.float32)
    W2 = jax.random.normal(ks[4], (HID, HID), dtype=jnp.float32) * (1.0 / np.sqrt(HID))
    b2 = jnp.zeros((HID,), dtype=jnp.float32)
    return {"x": x, "atom_table": atom_table, "period_table": period_table, "W1": W1, "b1": b1, "W2": W2, "b2": b2}

def _period_lut():
    # period_map = {1:1, 6:2, 7:2, 8:2, 9:2, 15:3, 16:3, 17:3}, default 0
    lut = np.zeros((ATOM_TYPES,), dtype=np.int32)
    for z, p in {1: 1, 6: 2, 7: 2, 8: 2, 9: 2, 15: 3, 16: 3, 17: 3}.items():
        lut[z] = p
    return jnp.asarray(lut)

def reference(x, atom_table, period_table, W1, b1, W2, b2):
    # domain_type == 'molecule', x is integer atomic numbers -> _encode_molecule_features
    atom_emb = jnp.take(atom_table, x, axis=0)            # [N, HID-8] embedding gather
    periods = jnp.take(_period_lut(), x, axis=0)          # [N] int period ids
    period_emb = jnp.take(period_table, periods, axis=0)  # [N, 8]
    combined = jnp.concatenate([atom_emb, period_emb], axis=-1)  # [N, HID]
    # molecule_encoder: Linear -> ReLU -> Linear (torch Linear: y = x @ W.T + b)
    h = jnp.maximum(combined @ W1.T + b1, 0.0)
    out = h @ W2.T + b2
    return out

if __name__ == "__main__":
    import jax
    _d = setup_inputs()
    print(jax.jit(kernel)(*tuple(_d.values())))

</pallas_src>

<mosaic_0001>
#map = affine_map<(d0, d1) -> (0, 0)>
#map1 = affine_map<(d0, d1) -> (0, 0, 0)>
module attributes {stable_mosaic.version = 14 : i64} {
  func.func @_gather_body(%arg0: i32, %arg1: i32, %arg2: memref<4096x256xf32, #tpu.memory_space<hbm>>, %arg3: memref<32x128x64xi32, #tpu.memory_space<hbm>>, %arg4: memref<262144x256xf32, #tpu.memory_space<hbm>>, %arg5: memref<128x64xi32, #tpu.memory_space<vmem>>, %arg6: memref<64x256xf32, #tpu.memory_space<vmem>>, %arg7: memref<64x256xf32, #tpu.memory_space<vmem>>, %arg8: memref<64x256xf32, #tpu.memory_space<vmem>>, %arg9: memref<64x256xf32, #tpu.memory_space<vmem>>, %arg10: memref<!tpu.dma_semaphore, #tpu.memory_space<semaphore_mem>>, %arg11: memref<!tpu.dma_semaphore, #tpu.memory_space<semaphore_mem>>, %arg12: memref<!tpu.dma_semaphore, #tpu.memory_space<semaphore_mem>>, %arg13: memref<!tpu.dma_semaphore, #tpu.memory_space<semaphore_mem>>, %arg14: memref<!tpu.dma_semaphore, #tpu.memory_space<semaphore_mem>>, %arg15: memref<!tpu.dma_semaphore, #tpu.memory_space<semaphore_mem>>, %arg16: memref<!tpu.dma_semaphore, #tpu.memory_space<semaphore_mem>>, %arg17: memref<!tpu.dma_semaphore, #tpu.memory_space<semaphore_mem>>) attributes {dimension_semantics = [#tpu.dimension_semantics<core_parallel>, #tpu.dimension_semantics<subcore_parallel>], iteration_bounds = array<i64: 2, 16>, scalar_prefetch = 0 : i64, scratch_operands = 13 : i64, tpu.core_type = #tpu.core_type<sc_vector_subcore>, window_params = [{transform_indices = #map}, {transform_indices = #map1}, {transform_indices = #map}]} {
    %mul3A = arith.constant 2 : i32
    %mul3A_0 = arith.muli %arg1, %mul3A : i32
    %add3A = arith.addi %mul3A_0, %arg0 : i32
    "tpu.region"() ({
      %run_scoped3A = tpu.sem_alloc : memref<!tpu.dma_semaphore, #tpu.memory_space<semaphore_mem>>
      %dma_start3A_54 = arith.constant 0 : i32
      %dma_start3A_55 = arith.constant 0 : i32
      %dma_start3A_56 = tpu.memref_slice %arg3[%add3A, %dma_start3A_54, %dma_start3A_55] : memref<32x128x64xi32, #tpu.memory_space<hbm>> -> memref<1x128x64xi32, #tpu.memory_space<hbm>>
      %dma_start3A_57 = tpu.memref_squeeze %dma_start3A_56 : memref<1x128x64xi32, #tpu.memory_space<hbm>> -> memref<128x64xi32, #tpu.memory_space<hbm>>
      %dma_start3A_58 = arith.constant 0 : i32
      %dma_start3A_59 = arith.constant 0 : i32
      %dma_start3A_60 = tpu.memref_slice %arg3[%add3A, %dma_start3A_58, %dma_start3A_59] : memref<32x128x64xi32, #tpu.memory_space<hbm>> -> memref<1x128x64xi32, #tpu.memory_space<hbm>>
      %dma_start3A_61 = tpu.memref_squeeze %dma_start3A_60 : memref<1x128x64xi32, #tpu.memory_space<hbm>> -> memref<128x64xi32, #tpu.memory_space<hbm>>
      tpu.enqueue_dma source(%dma_start3A_61 : memref<128x64xi32, #tpu.memory_space<hbm>>) target(%arg5 : memref<128x64xi32, #tpu.memory_space<vmem>>) target_semaphore(%run_scoped3A : memref<!tpu.dma_semaphore, #tpu.memory_space<semaphore_mem>>)
      %dma_wait3A_62 = arith.constant 0 : i32
      %dma_wait3A_63 = arith.constant 0 : i32
      %dma_wait3A_64 = tpu.memref_slice %arg3[%add3A, %dma_wait3A_62, %dma_wait3A_63] : memref<32x128x64xi32, #tpu.memory_space<hbm>> -> memref<1x128x64xi32, #tpu.memory_space<hbm>>
      %dma_wait3A_65 = tpu.memref_squeeze %dma_wait3A_64 : memref<1x128x64xi32, #tpu.memory_space<hbm>> -> memref<128x64xi32, #tpu.memory_space<hbm>>
      %dma_wait3A_66 = arith.constant 0 : i32
      %dma_wait3A_67 = arith.constant 0 : i32
      %dma_wait3A_68 = tpu.memref_slice %arg3[%add3A, %dma_wait3A_66, %dma_wait3A_67] : memref<32x128x64xi32, #tpu.memory_space<hbm>> -> memref<1x128x64xi32, #tpu.memory_space<hbm>>
      %dma_wait3A_69 = tpu.memref_squeeze %dma_wait3A_68 : memref<1x128x64xi32, #tpu.memory_space<hbm>> -> memref<128x64xi32, #tpu.memory_space<hbm>>
      tpu.wait_dma2 semaphore(%run_scoped3A : memref<!tpu.dma_semaphore, #tpu.memory_space<semaphore_mem>>) src(%dma_wait3A_69 : memref<128x64xi32, #tpu.memory_space<hbm>>) dst(%arg5 : memref<128x64xi32, #tpu.memory_space<vmem>>)
      tpu.yield
    }) : () -> ()
    %mul3A_1 = arith.constant 128 : i32
    %mul3A_2 = arith.muli %add3A, %mul3A_1 : i32
    %scan3A = arith.constant 0 : i32
    %scan3A_3 = arith.constant 0 : i32
    %scan3A_4 = arith.constant 128 : i32
    %scan3A_5 = arith.addi %scan3A_3, %scan3A_4 : i32
    %scan3A_6 = arith.constant 1 : i32
    %scan3A_7 = scf.for %scan3A_54 = %scan3A_3 to %scan3A_5 step %scan3A_6 iter_args(%scan3A_55 = %scan3A) -> (i32)  : i32 {
      %get3A = arith.index_cast %scan3A_54 : i32 to index
      %get3A_56 = arith.constant 0 : index
      %get3A_57 = tpu.vector_load %arg5[%get3A, %get3A_56] {strides = array<i32>} : memref<128x64xi32, #tpu.memory_space<vmem>>, vector<1x16xi32>,
      %get3A_58 = vector.shape_cast %get3A_57 : vector<1x16xi32> to vector<16xi32>
      %add3A_59 = vector.broadcast %mul3A_2 : i32 to vector<16xi32>
      %add3A_60 = arith.addi %get3A_58, %add3A_59 : vector<16xi32>
      %swap3A = arith.index_cast %scan3A_54 : i32 to index
      %swap3A_61 = arith.constant 0 : index
      %swap3A_62 = tpu.vector_load %arg5[%swap3A, %swap3A_61] {strides = array<i32>} : memref<128x64xi32, #tpu.memory_space<vmem>>, vector<1x16xi32>,
      %swap3A_63 = vector.shape_cast %swap3A_62 : vector<1x16xi32> to vector<16xi32>
      %swap3A_64 = vector.shape_cast %add3A_60 : vector<16xi32> to vector<1x16xi32>
      tpu.vector_store %arg5[%swap3A, %swap3A_61], %swap3A_64 {strides = array<i32>} : memref<128x64xi32, #tpu.memory_space<vmem>>, vector<1x16xi32>,
      %get3A_65 = arith.index_cast %scan3A_54 : i32 to index
      %get3A_66 = arith.constant 16 : index
      %get3A_67 = tpu.vector_load %arg5[%get3A_65, %get3A_66] {strides = array<i32>} : memref<128x64xi32, #tpu.memory_space<vmem>>, vector<1x16xi32>,
      %get3A_68 = vector.shape_cast %get3A_67 : vector<1x16xi32> to vector<16xi32>
      %add3A_69 = vector.broadcast %mul3A_2 : i32 to vector<16xi32>
      %add3A_70 = arith.addi %get3A_68, %add3A_69 : vector<16xi32>
      %swap3A_71 = arith.index_cast %scan3A_54 : i32 to index
      %swap3A_72 = arith.constant 16 : index
      %swap3A_73 = tpu.vector_load %arg5[%swap3A_71, %swap3A_72] {strides = array<i32>} : memref<128x64xi32, #tpu.memory_space<vmem>>, vector<1x16xi32>,
      %swap3A_74 = vector.shape_cast %swap3A_73 : vector<1x16xi32> to vector<16xi32>
      %swap3A_75 = vector.shape_cast %add3A_70 : vector<16xi32> to vector<1x16xi32>
      tpu.vector_store %arg5[%swap3A_71, %swap3A_72], %swap3A_75 {strides = array<i32>} : memref<128x64xi32, #tpu.memory_space<vmem>>, vector<1x16xi32>,
      %get3A_76 = arith.index_cast %scan3A_54 : i32 to index
      %get3A_77 = arith.constant 32 : index
      %get3A_78 = tpu.vector_load %arg5[%get3A_76, %get3A_77] {strides = array<i32>} : memref<128x64xi32, #tpu.memory_space<vmem>>, vector<1x16xi32>,
      %get3A_79 = vector.shape_cast %get3A_78 : vector<1x16xi32> to vector<16xi32>
      %add3A_80 = vector.broadcast %mul3A_2 : i32 to vector<16xi32>
      %add3A_81 = arith.addi %get3A_79, %add3A_80 : vector<16xi32>
      %swap3A_82 = arith.index_cast %scan3A_54 : i32 to index
      %swap3A_83 = arith.constant 32 : index
      %swap3A_84 = tpu.vector_load %arg5[%swap3A_82, %swap3A_83] {strides = array<i32>} : memref<128x64xi32, #tpu.memory_space<vmem>>, vector<1x16xi32>,
      %swap3A_85 = vector.shape_cast %swap3A_84 : vector<1x16xi32> to vector<16xi32>
      %swap3A_86 = vector.shape_cast %add3A_81 : vector<16xi32> to vector<1x16xi32>
      tpu.vector_store %arg5[%swap3A_82, %swap3A_83], %swap3A_86 {strides = array<i32>} : memref<128x64xi32, #tpu.memory_space<vmem>>, vector<1x16xi32>,
      %get3A_87 = arith.index_cast %scan3A_54 : i32 to index
      %get3A_88 = arith.constant 48 : index
      %get3A_89 = tpu.vector_load %arg5[%get3A_87, %get3A_88] {strides = array<i32>} : memref<128x64xi32, #tpu.memory_space<vmem>>, vector<1x16xi32>,
      %get3A_90 = vector.shape_cast %get3A_89 : vector<1x16xi32> to vector<16xi32>
      %add3A_91 = vector.broadcast %mul3A_2 : i32 to vector<16xi32>
      %add3A_92 = arith.addi %get3A_90, %add3A_91 : vector<16xi32>
      %swap3A_93 = arith.index_cast %scan3A_54 : i32 to index
      %swap3A_94 = arith.constant 48 : index
      %swap3A_95 = tpu.vector_load %arg5[%swap3A_93, %swap3A_94] {strides = array<i32>} : memref<128x64xi32, #tpu.memory_space<vmem>>, vector<1x16xi32>,
      %swap3A_96 = vector.shape_cast %swap3A_95 : vector<1x16xi32> to vector<16xi32>
      %swap3A_97 = vector.shape_cast %add3A_92 : vector<16xi32> to vector<1x16xi32>
      tpu.vector_store %arg5[%swap3A_93, %swap3A_94], %swap3A_97 {strides = array<i32>} : memref<128x64xi32, #tpu.memory_space<vmem>>, vector<1x16xi32>,
      %scan3A_98 = arith.constant 0 : i32
      scf.yield %scan3A_98 : i32
    }
    %scan3A_8 = arith.constant 128 : i32
    %mul3A_9 = arith.constant 8192 : i32
    %mul3A_10 = arith.muli %add3A, %mul3A_9 : i32
    %dma_start3A = arith.constant 0 : i32
    %dma_start3A_11 = arith.constant 0 : i32
    %dma_start3A_12 = tpu.memref_slice %arg5[%dma_start3A, %dma_start3A_11] : memref<128x64xi32, #tpu.memory_space<vmem>> -> memref<1x64xi32, #tpu.memory_space<vmem>>
    %dma_start3A_13 = tpu.memref_squeeze %dma_start3A_12 : memref<1x64xi32, #tpu.memory_space<vmem>> -> memref<64xi32, #tpu.memory_space<vmem>>
    %dma_start3A_14 = arith.constant 0 : i32
    %dma_start3A_15 = arith.constant 0 : i32
    %dma_start3A_16 = tpu.memref_slice %arg2[%dma_start3A_14, %dma_start3A_15] : memref<4096x256xf32, #tpu.memory_space<hbm>> -> memref<4096x256xf32, #tpu.memory_space<hbm>>
    tpu.enqueue_indirect_dma source(%dma_start3A_16 : memref<4096x256xf32, #tpu.memory_space<hbm>>) target(%arg6 : memref<64x256xf32, #tpu.memory_space<vmem>>) offsets(%dma_start3A_13 : memref<64xi32, #tpu.memory_space<vmem>>) semaphore(%arg10 : memref<!tpu.dma_semaphore, #tpu.memory_space<semaphore_mem>>)
    %dma_start3A_17 = arith.constant 1 : i32
    %dma_start3A_18 = arith.constant 0 : i32
    %dma_start3A_19 = tpu.memref_slice %arg5[%dma_start3A_17, %dma_start3A_18] : memref<128x64xi32, #tpu.memory_space<vmem>> -> memref<1x64xi32, #tpu.memory_space<vmem>>
    %dma_start3A_20 = tpu.memref_squeeze %dma_start3A_19 : memref<1x64xi32, #tpu.memory_space<vmem>> -> memref<64xi32, #tpu.memory_space<vmem>>
    %dma_start3A_21 = arith.constant 0 : i32
    %dma_start3A_22 = arith.constant 0 : i32
    %dma_start3A_23 = tpu.memref_slice %arg2[%dma_start3A_21, %dma_start3A_22] : memref<4096x256xf32, #tpu.memory_space<hbm>> -> memref<4096x256xf32, #tpu.memory_space<hbm>>
    tpu.enqueue_indirect_dma source(%dma_start3A_23 : memref<4096x256xf32, #tpu.memory_space<hbm>>) target(%arg7 : memref<64x256xf32, #tpu.memory_space<vmem>>) offsets(%dma_start3A_20 : memref<64xi32, #tpu.memory_space<vmem>>) semaphore(%arg11 : memref<!tpu.dma_semaphore, #tpu.memory_space<semaphore_mem>>)
    %scan3A_24 = arith.constant 0 : i32
    %scan3A_25 = arith.constant 0 : i32
    %scan3A_26 = arith.constant 32 : i32
    %scan3A_27 = arith.addi %scan3A_25, %scan3A_26 : i32
    %scan3A_28 = arith.constant 1 : i32
    %scan3A_29 = scf.for %scan3A_54 = %scan3A_25 to %scan3A_27 step %scan3A_28 iter_args(%scan3A_55 = %scan3A_24) -> (i32)  : i32 {
      %mul3A_56 = arith.constant 4 : i32
      %mul3A_57 = arith.muli %scan3A_54, %mul3A_56 : i32
      %add3A_58 = arith.constant 0 : i32
      %add3A_59 = arith.addi %mul3A_57, %add3A_58 : i32
      %dma_wait3A_60 = arith.constant 0 : i32
      %dma_wait3A_61 = tpu.memref_slice %arg5[%add3A_59, %dma_wait3A_60] : memref<128x64xi32, #tpu.memory_space<vmem>> -> memref<1x64xi32, #tpu.memory_space<vmem>>
      %dma_wait3A_62 = tpu.memref_squeeze %dma_wait3A_61 : memref<1x64xi32, #tpu.memory_space<vmem>> -> memref<64xi32, #tpu.memory_space<vmem>>
      %dma_wait3A_63 = arith.constant 0 : i32
      %dma_wait3A_64 = arith.constant 0 : i32
      %dma_wait3A_65 = tpu.memref_slice %arg2[%dma_wait3A_63, %dma_wait3A_64] : memref<4096x256xf32, #tpu.memory_space<hbm>> -> memref<4096x256xf32, #tpu.memory_space<hbm>>
      tpu.wait_indirect_dma semaphore(%arg10 : memref<!tpu.dma_semaphore, #tpu.memory_space<semaphore_mem>>) src(%dma_wait3A_65 : memref<4096x256xf32, #tpu.memory_space<hbm>>) dst(%arg6 : memref<64x256xf32, #tpu.memory_space<vmem>>)
      %mul3A_66 = arith.constant 64 : i32
      %mul3A_67 = arith.muli %add3A_59, %mul3A_66 : i32
      %add3A_68 = arith.addi %mul3A_10, %mul3A_67 : i32
      %dma_start3A_69 = arith.constant 0 : i32
      %dma_start3A_70 = tpu.memref_slice %arg4[%add3A_68, %dma_start3A_69] : memref<262144x256xf32, #tpu.memory_space<hbm>> -> memref<64x256xf32, #tpu.memory_space<hbm>>
      %dma_start3A_71 = arith.constant 0 : i32
      %dma_start3A_72 = tpu.memref_slice %arg4[%add3A_68, %dma_start3A_71] : memref<262144x256xf32, #tpu.memory_space<hbm>> -> memref<64x256xf32, #tpu.memory_space<hbm>>
      tpu.enqueue_dma source(%arg6 : memref<64x256xf32, #tpu.memory_space<vmem>>) target(%dma_start3A_72 : memref<64x256xf32, #tpu.memory_space<hbm>>) target_semaphore(%arg14 : memref<!tpu.dma_semaphore, #tpu.memory_space<semaphore_mem>>)
      %add3A_73 = arith.constant 2 : i32
      %add3A_74 = arith.addi %add3A_59, %add3A_73 : i32
      %lt3A = arith.constant 128 : i32
      %lt3A_75 = arith.cmpi slt, %add3A_74, %lt3A : i32
      %convert_element_type3A = arith.extui %lt3A_75 : i1 to i32
      %cond3A = arith.constant 0 : i32
      %cond3A_76 = arith.cmpi ne, %convert_element_type3A, %cond3A : i32
      scf.if %cond3A_76 {
        %ge3A = arith.constant 4 : i32
        %ge3A_150 = arith.cmpi sge, %add3A_74, %ge3A : i32
        %convert_element_type3A_151 = arith.extui %ge3A_150 : i1 to i32
        %cond3A_152 = arith.constant 0 : i32
        %cond3A_153 = arith.cmpi ne, %convert_element_type3A_151, %cond3A_152 : i32
        scf.if %cond3A_153 {
          %sub3A = arith.constant 4 : i32
          %sub3A_160 = arith.subi %add3A_74, %sub3A : i32
          %mul3A_161 = arith.constant 64 : i32
          %mul3A_162 = arith.muli %sub3A_160, %mul3A_161 : i32
          %add3A_163 = arith.addi %mul3A_10, %mul3A_162 : i32
          %dma_wait3A_164 = arith.constant 0 : i32
          %dma_wait3A_165 = tpu.memref_slice %arg4[%add3A_163, %dma_wait3A_164] : memref<262144x256xf32, #tpu.memory_space<hbm>> -> memref<64x256xf32, #tpu.memory_space<hbm>>
          %dma_wait3A_166 = arith.constant 0 : i32
          %dma_wait3A_167 = tpu.memref_slice %arg4[%add3A_163, %dma_wait3A_166] : memref<262144x256xf32, #tpu.memory_space<hbm>> -> memref<64x256xf32, #tpu.memory_space<hbm>>
          tpu.wait_dma2 semaphore(%arg16 : memref<!tpu.dma_semaphore, #tpu.memory_space<semaphore_mem>>) src(%arg8 : memref<64x256xf32, #tpu.memory_space<vmem>>) dst(%dma_wait3A_167 : memref<64x256xf32, #tpu.memory_space<hbm>>)
        } else {
        }
        %dma_start3A_154 = arith.constant 0 : i32
        %dma_start3A_155 = tpu.memref_slice %arg5[%add3A_74, %dma_start3A_154] : memref<128x64xi32, #tpu.memory_space<vmem>> -> memref<1x64xi32, #tpu.memory_space<vmem>>
        %dma_start3A_156 = tpu.memref_squeeze %dma_start3A_155 : memref<1x64xi32, #tpu.memory_space<vmem>> -> memref<64xi32, #tpu.memory_space<vmem>>
        %dma_start3A_157 = arith.constant 0 : i32
        %dma_start3A_158 = arith.constant 0 : i32
        %dma_start3A_159 = tpu.memref_slice %arg2[%dma_start3A_157, %dma_start3A_158] : memref<4096x256xf32, #tpu.memory_space<hbm>> -> memref<4096x256xf32, #tpu.memory_space<hbm>>
        tpu.enqueue_indirect_dma source(%dma_start3A_159 : memref<4096x256xf32, #tpu.memory_space<hbm>>) target(%arg8 : memref<64x256xf32, #tpu.memory_space<vmem>>) offsets(%dma_start3A_156 : memref<64xi32, #tpu.memory_space<vmem>>) semaphore(%arg12 : memref<!tpu.dma_semaphore, #tpu.memory_space<semaphore_mem>>)
      } else {
      }
      %mul3A_77 = arith.constant 4 : i32
      %mul3A_78 = arith.muli %scan3A_54, %mul3A_77 : i32
      %add3A_79 = arith.constant 1 : i32
      %add3A_80 = arith.addi %mul3A_78, %add3A_79 : i32
      %dma_wait3A_81 = arith.constant 0 : i32
      %dma_wait3A_82 = tpu.memref_slice %arg5[%add3A_80, %dma_wait3A_81] : memref<128x64xi32, #tpu.memory_space<vmem>> -> memref<1x64xi32, #tpu.memory_space<vmem>>
      %dma_wait3A_83 = tpu.memref_squeeze %dma_wait3A_82 : memref<1x64xi32, #tpu.memory_space<vmem>> -> memref<64xi32, #tpu.memory_space<vmem>>
      %dma_wait3A_84 = arith.constant 0 : i32
      %dma_wait3A_85 = arith.constant 0 : i32
      %dma_wait3A_86 = tpu.memref_slice %arg2[%dma_wait3A_84, %dma_wait3A_85] : memref<4096x256xf32, #tpu.memory_space<hbm>> -> memref<4096x256xf32, #tpu.memory_space<hbm>>
      tpu.wait_indirect_dma semaphore(%arg11 : memref<!tpu.dma_semaphore, #tpu.memory_space<semaphore_mem>>) src(%dma_wait3A_86 : memref<4096x256xf32, #tpu.memory_space<hbm>>) dst(%arg7 : memref<64x256xf32, #tpu.memory_space<vmem>>)
      %mul3A_87 = arith.constant 64 : i32
      %mul3A_88 = arith.muli %add3A_80, %mul3A_87 : i32
      %add3A_89 = arith.addi %mul3A_10, %mul3A_88 : i32
      %dma_start3A_90 = arith.constant 0 : i32
      %dma_start3A_91 = tpu.memref_slice %arg4[%add3A_89, %dma_start3A_90] : memref<262144x256xf32, #tpu.memory_space<hbm>> -> memref<64x256xf32, #tpu.memory_space<hbm>>
      %dma_start3A_92 = arith.constant 0 : i32
      %dma_start3A_93 = tpu.memref_slice %arg4[%add3A_89, %dma_start3A_92] : memref<262144x256xf32, #tpu.memory_space<hbm>> -> memref<64x256xf32, #tpu.memory_space<hbm>>
      tpu.enqueue_dma source(%arg7 : memref<64x256xf32, #tpu.memory_space<vmem>>) target(%dma_start3A_93 : memref<64x256xf32, #tpu.memory_space<hbm>>) target_semaphore(%arg15 : memref<!tpu.dma_semaphore, #tpu.memory_space<semaphore_mem>>)
      %add3A_94 = arith.constant 2 : i32
      %add3A_95 = arith.addi %add3A_80, %add3A_94 : i32
      %lt3A_96 = arith.constant 128 : i32
      %lt3A_97 = arith.cmpi slt, %add3A_95, %lt3A_96 : i32
      %convert_element_type3A_98 = arith.extui %lt3A_97 : i1 to i32
      %cond3A_99 = arith.constant 0 : i32
      %cond3A_100 = arith.cmpi ne, %convert_element_type3A_98, %cond3A_99 : i32
      scf.if %cond3A_100 {
        %ge3A = arith.constant 4 : i32
        %ge3A_150 = arith.cmpi sge, %add3A_95, %ge3A : i32
        %convert_element_type3A_151 = arith.extui %ge3A_150 : i1 to i32
        %cond3A_152 = arith.constant 0 : i32
        %cond3A_153 = arith.cmpi ne, %convert_element_type3A_151, %cond3A_152 : i32
        scf.if %cond3A_153 {
          %sub3A = arith.constant 4 : i32
          %sub3A_160 = arith.subi %add3A_95, %sub3A : i32
          %mul3A_161 = arith.constant 64 : i32
          %mul3A_162 = arith.muli %sub3A_160, %mul3A_161 : i32
          %add3A_163 = arith.addi %mul3A_10, %mul3A_162 : i32
          %dma_wait3A_164 = arith.constant 0 : i32
          %dma_wait3A_165 = tpu.memref_slice %arg4[%add3A_163, %dma_wait3A_164] : memref<262144x256xf32, #tpu.memory_space<hbm>> -> memref<64x256xf32, #tpu.memory_space<hbm>>
          %dma_wait3A_166 = arith.constant 0 : i32
          %dma_wait3A_167 = tpu.memref_slice %arg4[%add3A_163, %dma_wait3A_166] : memref<262144x256xf32, #tpu.memory_space<hbm>> -> memref<64x256xf32, #tpu.memory_space<hbm>>
          tpu.wait_dma2 semaphore(%arg17 : memref<!tpu.dma_semaphore, #tpu.memory_space<semaphore_mem>>) src(%arg9 : memref<64x256xf32, #tpu.memory_space<vmem>>) dst(%dma_wait3A_167 : memref<64x256xf32, #tpu.memory_space<hbm>>)
        } else {
        }
        %dma_start3A_154 = arith.constant 0 : i32
        %dma_start3A_155 = tpu.memref_slice %arg5[%add3A_95, %dma_start3A_154] : memref<128x64xi32, #tpu.memory_space<vmem>> -> memref<1x64xi32, #tpu.memory_space<vmem>>
        %dma_start3A_156 = tpu.memref_squeeze %dma_start3A_155 : memref<1x64xi32, #tpu.memory_space<vmem>> -> memref<64xi32, #tpu.memory_space<vmem>>
        %dma_start3A_157 = arith.constant 0 : i32
        %dma_start3A_158 = arith.constant 0 : i32
        %dma_start3A_159 = tpu.memref_slice %arg2[%dma_start3A_157, %dma_start3A_158] : memref<4096x256xf32, #tpu.memory_space<hbm>> -> memref<4096x256xf32, #tpu.memory_space<hbm>>
        tpu.enqueue_indirect_dma source(%dma_start3A_159 : memref<4096x256xf32, #tpu.memory_space<hbm>>) target(%arg9 : memref<64x256xf32, #tpu.memory_space<vmem>>) offsets(%dma_start3A_156 : memref<64xi32, #tpu.memory_space<vmem>>) semaphore(%arg13 : memref<!tpu.dma_semaphore, #tpu.memory_space<semaphore_mem>>)
      } else {
      }
      %mul3A_101 = arith.constant 4 : i32
      %mul3A_102 = arith.muli %scan3A_54, %mul3A_101 : i32
      %add3A_103 = arith.constant 2 : i32
      %add3A_104 = arith.addi %mul3A_102, %add3A_103 : i32
      %dma_wait3A_105 = arith.constant 0 : i32
      %dma_wait3A_106 = tpu.memref_slice %arg5[%add3A_104, %dma_wait3A_105] : memref<128x64xi32, #tpu.memory_space<vmem>> -> memref<1x64xi32, #tpu.memory_space<vmem>>
      %dma_wait3A_107 = tpu.memref_squeeze %dma_wait3A_106 : memref<1x64xi32, #tpu.memory_space<vmem>> -> memref<64xi32, #tpu.memory_space<vmem>>
      %dma_wait3A_108 = arith.constant 0 : i32
      %dma_wait3A_109 = arith.constant 0 : i32
      %dma_wait3A_110 = tpu.memref_slice %arg2[%dma_wait3A_108, %dma_wait3A_109] : memref<4096x256xf32, #tpu.memory_space<hbm>> -> memref<4096x256xf32, #tpu.memory_space<hbm>>
      tpu.wait_indirect_dma semaphore(%arg12 : memref<!tpu.dma_semaphore, #tpu.memory_space<semaphore_mem>>) src(%dma_wait3A_110 : memref<4096x256xf32, #tpu.memory_space<hbm>>) dst(%arg8 : memref<64x256xf32, #tpu.memory_space<vmem>>)
      %mul3A_111 = arith.constant 64 : i32
      %mul3A_112 = arith.muli %add3A_104, %mul3A_111 : i32
      %add3A_113 = arith.addi %mul3A_10, %mul3A_112 : i32
      %dma_start3A_114 = arith.constant 0 : i32
      %dma_start3A_115 = tpu.memref_slice %arg4[%add3A_113, %dma_start3A_114] : memref<262144x256xf32, #tpu.memory_space<hbm>> -> memref<64x256xf32, #tpu.memory_space<hbm>>
      %dma_start3A_116 = arith.constant 0 : i32
      %dma_start3A_117 = tpu.memref_slice %arg4[%add3A_113, %dma_start3A_116] : memref<262144x256xf32, #tpu.memory_space<hbm>> -> memref<64x256xf32, #tpu.memory_space<hbm>>
      tpu.enqueue_dma source(%arg8 : memref<64x256xf32, #tpu.memory_space<vmem>>) target(%dma_start3A_117 : memref<64x256xf32, #tpu.memory_space<hbm>>) target_semaphore(%arg16 : memref<!tpu.dma_semaphore, #tpu.memory_space<semaphore_mem>>)
      %add3A_118 = arith.constant 2 : i32
      %add3A_119 = arith.addi %add3A_104, %add3A_118 : i32
      %lt3A_120 = arith.constant 128 : i32
      %lt3A_121 = arith.cmpi slt, %add3A_119, %lt3A_120 : i32
      %convert_element_type3A_122 = arith.extui %lt3A_121 : i1 to i32
      %cond3A_123 = arith.constant 0 : i32
      %cond3A_124 = arith.cmpi ne, %convert_element_type3A_122, %cond3A_123 : i32
      scf.if %cond3A_124 {
        %ge3A = arith.constant 4 : i32
        %ge3A_150 = arith.cmpi sge, %add3A_119, %ge3A : i32
        %convert_element_type3A_151 = arith.extui %ge3A_150 : i1 to i32
        %cond3A_152 = arith.constant 0 : i32
        %cond3A_153 = arith.cmpi ne, %convert_element_type3A_151, %cond3A_152 : i32
        scf.if %cond3A_153 {
          %sub3A = arith.constant 4 : i32
          %sub3A_160 = arith.subi %add3A_119, %sub3A : i32
          %mul3A_161 = arith.constant 64 : i32
          %mul3A_162 = arith.muli %sub3A_160, %mul3A_161 : i32
          %add3A_163 = arith.addi %mul3A_10, %mul3A_162 : i32
          %dma_wait3A_164 = arith.constant 0 : i32
          %dma_wait3A_165 = tpu.memref_slice %arg4[%add3A_163, %dma_wait3A_164] : memref<262144x256xf32, #tpu.memory_space<hbm>> -> memref<64x256xf32, #tpu.memory_space<hbm>>
          %dma_wait3A_166 = arith.constant 0 : i32
          %dma_wait3A_167 = tpu.memref_slice %arg4[%add3A_163, %dma_wait3A_166] : memref<262144x256xf32, #tpu.memory_space<hbm>> -> memref<64x256xf32, #tpu.memory_space<hbm>>
          tpu.wait_dma2 semaphore(%arg14 : memref<!tpu.dma_semaphore, #tpu.memory_space<semaphore_mem>>) src(%arg6 : memref<64x256xf32, #tpu.memory_space<vmem>>) dst(%dma_wait3A_167 : memref<64x256xf32, #tpu.memory_space<hbm>>)
        } else {
        }
        %dma_start3A_154 = arith.constant 0 : i32
        %dma_start3A_155 = tpu.memref_slice %arg5[%add3A_119, %dma_start3A_154] : memref<128x64xi32, #tpu.memory_space<vmem>> -> memref<1x64xi32, #tpu.memory_space<vmem>>
        %dma_start3A_156 = tpu.memref_squeeze %dma_start3A_155 : memref<1x64xi32, #tpu.memory_space<vmem>> -> memref<64xi32, #tpu.memory_space<vmem>>
        %dma_start3A_157 = arith.constant 0 : i32
        %dma_start3A_158 = arith.constant 0 : i32
        %dma_start3A_159 = tpu.memref_slice %arg2[%dma_start3A_157, %dma_start3A_158] : memref<4096x256xf32, #tpu.memory_space<hbm>> -> memref<4096x256xf32, #tpu.memory_space<hbm>>
        tpu.enqueue_indirect_dma source(%dma_start3A_159 : memref<4096x256xf32, #tpu.memory_space<hbm>>) target(%arg6 : memref<64x256xf32, #tpu.memory_space<vmem>>) offsets(%dma_start3A_156 : memref<64xi32, #tpu.memory_space<vmem>>) semaphore(%arg10 : memref<!tpu.dma_semaphore, #tpu.memory_space<semaphore_mem>>)
      } else {
      }
      %mul3A_125 = arith.constant 4 : i32
      %mul3A_126 = arith.muli %scan3A_54, %mul3A_125 : i32
      %add3A_127 = arith.constant 3 : i32
      %add3A_128 = arith.addi %mul3A_126, %add3A_127 : i32
      %dma_wait3A_129 = arith.constant 0 : i32
      %dma_wait3A_130 = tpu.memref_slice %arg5[%add3A_128, %dma_wait3A_129] : memref<128x64xi32, #tpu.memory_space<vmem>> -> memref<1x64xi32, #tpu.memory_space<vmem>>
      %dma_wait3A_131 = tpu.memref_squeeze %dma_wait3A_130 : memref<1x64xi32, #tpu.memory_space<vmem>> -> memref<64xi32, #tpu.memory_space<vmem>>
      %dma_wait3A_132 = arith.constant 0 : i32
      %dma_wait3A_133 = arith.constant 0 : i32
      %dma_wait3A_134 = tpu.memref_slice %arg2[%dma_wait3A_132, %dma_wait3A_133] : memref<4096x256xf32, #tpu.memory_space<hbm>> -> memref<4096x256xf32, #tpu.memory_space<hbm>>
      tpu.wait_indirect_dma semaphore(%arg13 : memref<!tpu.dma_semaphore, #tpu.memory_space<semaphore_mem>>) src(%dma_wait3A_134 : memref<4096x256xf32, #tpu.memory_space<hbm>>) dst(%arg9 : memref<64x256xf32, #tpu.memory_space<vmem>>)
      %mul3A_135 = arith.constant 64 : i32
      %mul3A_136 = arith.muli %add3A_128, %mul3A_135 : i32
      %add3A_137 = arith.addi %mul3A_10, %mul3A_136 : i32
      %dma_start3A_138 = arith.constant 0 : i32
      %dma_start3A_139 = tpu.memref_slice %arg4[%add3A_137, %dma_start3A_138] : memref<262144x256xf32, #tpu.memory_space<hbm>> -> memref<64x256xf32, #tpu.memory_space<hbm>>
      %dma_start3A_140 = arith.constant 0 : i32
      %dma_start3A_141 = tpu.memref_slice %arg4[%add3A_137, %dma_start3A_140] : memref<262144x256xf32, #tpu.memory_space<hbm>> -> memref<64x256xf32, #tpu.memory_space<hbm>>
      tpu.enqueue_dma source(%arg9 : memref<64x256xf32, #tpu.memory_space<vmem>>) target(%dma_start3A_141 : memref<64x256xf32, #tpu.memory_space<hbm>>) target_semaphore(%arg17 : memref<!tpu.dma_semaphore, #tpu.memory_space<semaphore_mem>>)
      %add3A_142 = arith.constant 2 : i32
      %add3A_143 = arith.addi %add3A_128, %add3A_142 : i32
      %lt3A_144 = arith.constant 128 : i32
      %lt3A_145 = arith.cmpi slt, %add3A_143, %lt3A_144 : i32
      %convert_element_type3A_146 = arith.extui %lt3A_145 : i1 to i32
      %cond3A_147 = arith.constant 0 : i32
      %cond3A_148 = arith.cmpi ne, %convert_element_type3A_146, %cond3A_147 : i32
      scf.if %cond3A_148 {
        %ge3A = arith.constant 4 : i32
        %ge3A_150 = arith.cmpi sge, %add3A_143, %ge3A : i32
        %convert_element_type3A_151 = arith.extui %ge3A_150 : i1 to i32
        %cond3A_152 = arith.constant 0 : i32
        %cond3A_153 = arith.cmpi ne, %convert_element_type3A_151, %cond3A_152 : i32
        scf.if %cond3A_153 {
          %sub3A = arith.constant 4 : i32
          %sub3A_160 = arith.subi %add3A_143, %sub3A : i32
          %mul3A_161 = arith.constant 64 : i32
          %mul3A_162 = arith.muli %sub3A_160, %mul3A_161 : i32
          %add3A_163 = arith.addi %mul3A_10, %mul3A_162 : i32
          %dma_wait3A_164 = arith.constant 0 : i32
          %dma_wait3A_165 = tpu.memref_slice %arg4[%add3A_163, %dma_wait3A_164] : memref<262144x256xf32, #tpu.memory_space<hbm>> -> memref<64x256xf32, #tpu.memory_space<hbm>>
          %dma_wait3A_166 = arith.constant 0 : i32
          %dma_wait3A_167 = tpu.memref_slice %arg4[%add3A_163, %dma_wait3A_166] : memref<262144x256xf32, #tpu.memory_space<hbm>> -> memref<64x256xf32, #tpu.memory_space<hbm>>
          tpu.wait_dma2 semaphore(%arg15 : memref<!tpu.dma_semaphore, #tpu.memory_space<semaphore_mem>>) src(%arg7 : memref<64x256xf32, #tpu.memory_space<vmem>>) dst(%dma_wait3A_167 : memref<64x256xf32, #tpu.memory_space<hbm>>)
        } else {
        }
        %dma_start3A_154 = arith.constant 0 : i32
        %dma_start3A_155 = tpu.memref_slice %arg5[%add3A_143, %dma_start3A_154] : memref<128x64xi32, #tpu.memory_space<vmem>> -> memref<1x64xi32, #tpu.memory_space<vmem>>
        %dma_start3A_156 = tpu.memref_squeeze %dma_start3A_155 : memref<1x64xi32, #tpu.memory_space<vmem>> -> memref<64xi32, #tpu.memory_space<vmem>>
        %dma_start3A_157 = arith.constant 0 : i32
        %dma_start3A_158 = arith.constant 0 : i32
        %dma_start3A_159 = tpu.memref_slice %arg2[%dma_start3A_157, %dma_start3A_158] : memref<4096x256xf32, #tpu.memory_space<hbm>> -> memref<4096x256xf32, #tpu.memory_space<hbm>>
        tpu.enqueue_indirect_dma source(%dma_start3A_159 : memref<4096x256xf32, #tpu.memory_space<hbm>>) target(%arg7 : memref<64x256xf32, #tpu.memory_space<vmem>>) offsets(%dma_start3A_156 : memref<64xi32, #tpu.memory_space<vmem>>) semaphore(%arg11 : memref<!tpu.dma_semaphore, #tpu.memory_space<semaphore_mem>>)
      } else {
      }
      %scan3A_149 = arith.constant 0 : i32
      scf.yield %scan3A_149 : i32
    }
    %scan3A_30 = arith.constant 32 : i32
    %add3A_31 = arith.constant 7936 : i32
    %add3A_32 = arith.addi %mul3A_10, %add3A_31 : i32
    %dma_wait3A = arith.constant 0 : i32
    %dma_wait3A_33 = tpu.memref_slice %arg4[%add3A_32, %dma_wait3A] : memref<262144x256xf32, #tpu.memory_space<hbm>> -> memref<64x256xf32, #tpu.memory_space<hbm>>
    %dma_wait3A_34 = arith.constant 0 : i32
    %dma_wait3A_35 = tpu.memref_slice %arg4[%add3A_32, %dma_wait3A_34] : memref<262144x256xf32, #tpu.memory_space<hbm>> -> memref<64x256xf32, #tpu.memory_space<hbm>>
    tpu.wait_dma2 semaphore(%arg14 : memref<!tpu.dma_semaphore, #tpu.memory_space<semaphore_mem>>) src(%arg6 : memref<64x256xf32, #tpu.memory_space<vmem>>) dst(%dma_wait3A_35 : memref<64x256xf32, #tpu.memory_space<hbm>>)
    %add3A_36 = arith.constant 8000 : i32
    %add3A_37 = arith.addi %mul3A_10, %add3A_36 : i32
    %dma_wait3A_38 = arith.constant 0 : i32
    %dma_wait3A_39 = tpu.memref_slice %arg4[%add3A_37, %dma_wait3A_38] : memref<262144x256xf32, #tpu.memory_space<hbm>> -> memref<64x256xf32, #tpu.memory_space<hbm>>
    %dma_wait3A_40 = arith.constant 0 : i32
    %dma_wait3A_41 = tpu.memref_slice %arg4[%add3A_37, %dma_wait3A_40] : memref<262144x256xf32, #tpu.memory_space<hbm>> -> memref<64x256xf32, #tpu.memory_space<hbm>>
    tpu.wait_dma2 semaphore(%arg15 : memref<!tpu.dma_semaphore, #tpu.memory_space<semaphore_mem>>) src(%arg7 : memref<64x256xf32, #tpu.memory_space<vmem>>) dst(%dma_wait3A_41 : memref<64x256xf32, #tpu.memory_space<hbm>>)
    %add3A_42 = arith.constant 8064 : i32
    %add3A_43 = arith.addi %mul3A_10, %add3A_42 : i32
    %dma_wait3A_44 = arith.constant 0 : i32
    %dma_wait3A_45 = tpu.memref_slice %arg4[%add3A_43, %dma_wait3A_44] : memref<262144x256xf32, #tpu.memory_space<hbm>> -> memref<64x256xf32, #tpu.memory_space<hbm>>
    %dma_wait3A_46 = arith.constant 0 : i32
    %dma_wait3A_47 = tpu.memref_slice %arg4[%add3A_43, %dma_wait3A_46] : memref<262144x256xf32, #tpu.memory_space<hbm>> -> memref<64x256xf32, #tpu.memory_space<hbm>>
    tpu.wait_dma2 semaphore(%arg16 : memref<!tpu.dma_semaphore, #tpu.memory_space<semaphore_mem>>) src(%arg8 : memref<64x256xf32, #tpu.memory_space<vmem>>) dst(%dma_wait3A_47 : memref<64x256xf32, #tpu.memory_space<hbm>>)
    %add3A_48 = arith.constant 8128 : i32
    %add3A_49 = arith.addi %mul3A_10, %add3A_48 : i32
    %dma_wait3A_50 = arith.constant 0 : i32
    %dma_wait3A_51 = tpu.memref_slice %arg4[%add3A_49, %dma_wait3A_50] : memref<262144x256xf32, #tpu.memory_space<hbm>> -> memref<64x256xf32, #tpu.memory_space<hbm>>
    %dma_wait3A_52 = arith.constant 0 : i32
    %dma_wait3A_53 = tpu.memref_slice %arg4[%add3A_49, %dma_wait3A_52] : memref<262144x256xf32, #tpu.memory_space<hbm>> -> memref<64x256xf32, #tpu.memory_space<hbm>>
    tpu.wait_dma2 semaphore(%arg17 : memref<!tpu.dma_semaphore, #tpu.memory_space<semaphore_mem>>) src(%arg9 : memref<64x256xf32, #tpu.memory_space<vmem>>) dst(%dma_wait3A_53 : memref<64x256xf32, #tpu.memory_space<hbm>>)
    return
  }
}

module attributes {stable_mosaic.version = 14 : i64} {
  func.func @_table_body(%arg0: i32, %arg1: memref<128x256xf32, #tpu.memory_space<vmem>>, %arg2: memref<128x256xf32, #tpu.memory_space<vmem>>, %arg3: memref<128x128xf32, #tpu.memory_space<vmem>>, %arg4: memref<256x256xf32, #tpu.memory_space<vmem>>, %arg5: memref<1x256xf32, #tpu.memory_space<vmem>>, %arg6: memref<256x256xf32, #tpu.memory_space<vmem>>, %arg7: memref<1x256xf32, #tpu.memory_space<vmem>>, %arg8: memref<128x256xf32, #tpu.memory_space<vmem>>) attributes {dimension_semantics = [#tpu.dimension_semantics<arbitrary>], iteration_bounds = array<i64: 32>, scalar_prefetch = 0 : i64, scratch_operands = 0 : i64, tpu.core_type = #tpu.core_type<tc>, window_params = [{pipeline_mode = #tpu.pipeline_mode<synchronous>, transform_indices = @transform_0, window_bounds = array<i64: 128, 256>}, {pipeline_mode = #tpu.pipeline_mode<synchronous>, transform_indices = @transform_1, window_bounds = array<i64: 128, 256>}, {pipeline_mode = #tpu.pipeline_mode<synchronous>, transform_indices = @transform_2, window_bounds = array<i64: 128, 128>}, {pipeline_mode = #tpu.pipeline_mode<synchronous>, transform_indices = @transform_3, window_bounds = array<i64: 256, 256>}, {pipeline_mode = #tpu.pipeline_mode<synchronous>, transform_indices = @transform_4, window_bounds = array<i64: 1, 256>}, {pipeline_mode = #tpu.pipeline_mode<synchronous>, transform_indices = @transform_5, window_bounds = array<i64: 256, 256>}, {pipeline_mode = #tpu.pipeline_mode<synchronous>, transform_indices = @transform_6, window_bounds = array<i64: 1, 256>}, {transform_indices = @transform_7, window_bounds = array<i64: 128, 256>}]} {
    %get3A = arith.constant 0 : index
    %get3A_0 = arith.constant 0 : index
    %get3A_1 = vector.load %arg3[%get3A, %get3A_0] : memref<128x128xf32, #tpu.memory_space<vmem>>, vector<128x128xf32>
    %get3A_2 = arith.constant 0 : index
    %get3A_3 = arith.constant 0 : index
    %get3A_4 = vector.load %arg2[%get3A_2, %get3A_3] : memref<128x256xf32, #tpu.memory_space<vmem>>, vector<128x256xf32>
    %dot_general3A = arith.constant dense<0.000000e+00> : vector<128x256xf32>
    %dot_general3A_5 = tpu.matmul %get3A_1, %get3A_4, %dot_general3A {dimension_numbers = #tpu.dot_dimension_numbers<[1], [0], [0], [1], [0, 0, 1, 1], [], []>, transpose_lhs_hint = false} : vector<128x128xf32>, vector<128x256xf32>, vector<128x256xf32> -> vector<128x256xf32>
    %get3A_6 = arith.constant 0 : index
    %get3A_7 = arith.constant 0 : index
    %get3A_8 = vector.load %arg1[%get3A_6, %get3A_7] : memref<128x256xf32, #tpu.memory_space<vmem>>, vector<128x256xf32>
    %add3A = arith.addf %get3A_8, %dot_general3A_5 : vector<128x256xf32>
    %get3A_9 = arith.constant 0 : index
    %get3A_10 = arith.constant 0 : index
    %get3A_11 = vector.load %arg4[%get3A_9, %get3A_10] : memref<256x256xf32, #tpu.memory_space<vmem>>, vector<256x256xf32>
    %dot_general3A_12 = arith.constant dense<0.000000e+00> : vector<128x256xf32>
    %dot_general3A_13 = tpu.matmul %add3A, %get3A_11, %dot_general3A_12 {dimension_numbers = #tpu.dot_dimension_numbers<[1], [1], [0], [0], [0, 0, 1, 0], [], []>, transpose_lhs_hint = false} : vector<128x256xf32>, vector<256x256xf32>, vector<128x256xf32> -> vector<128x256xf32>
    %get3A_14 = arith.constant 0 : index
    %get3A_15 = arith.constant 0 : index
    %get3A_16 = vector.load %arg5[%get3A_14, %get3A_15] : memref<1x256xf32, #tpu.memory_space<vmem>>, vector<1x256xf32>
    %add3A_17 = vector.broadcast %get3A_16 : vector<1x256xf32> to vector<128x256xf32>
    %add3A_18 = arith.addf %dot_general3A_13, %add3A_17 : vector<128x256xf32>
    %max3A = arith.constant 0.000000e+00 : f32
    %max3A_19 = vector.broadcast %max3A : f32 to vector<128x256xf32>
    %max3A_20 = arith.maximumf %add3A_18, %max3A_19 : vector<128x256xf32>
    %get3A_21 = arith.constant 0 : index
    %get3A_22 = arith.constant 0 : index
    %get3A_23 = vector.load %arg6[%get3A_21, %get3A_22] : memref<256x256xf32, #tpu.memory_space<vmem>>, vector<256x256xf32>
    %dot_general3A_24 = arith.constant dense<0.000000e+00> : vector<128x256xf32>
    %dot_general3A_25 = tpu.matmul %max3A_20, %get3A_23, %dot_general3A_24 {dimension_numbers = #tpu.dot_dimension_numbers<[1], [1], [0], [0], [0, 0, 1, 0], [], []>, transpose_lhs_hint = false} : vector<128x256xf32>, vector<256x256xf32>, vector<128x256xf32> -> vector<128x256xf32>
    %get3A_26 = arith.constant 0 : index
    %get3A_27 = arith.constant 0 : index
    %get3A_28 = vector.load %arg7[%get3A_26, %get3A_27] : memref<1x256xf32, #tpu.memory_space<vmem>>, vector<1x256xf32>
    %add3A_29 = vector.broadcast %get3A_28 : vector<1x256xf32> to vector<128x256xf32>
    %add3A_30 = arith.addf %dot_general3A_25, %add3A_29 : vector<128x256xf32>
    %swap3A = arith.constant 0 : index
    %swap3A_31 = arith.constant 0 : index
    %swap3A_32 = vector.load %arg8[%swap3A, %swap3A_31] : memref<128x256xf32, #tpu.memory_space<vmem>>, vector<128x256xf32>
    tpu.vector_store %arg8[%swap3A, %swap3A_31], %add3A_30 {strides = array<i32>} : memref<128x256xf32, #tpu.memory_space<vmem>>, vector<128x256xf32>,
    return
  }
  func.func @transform_0(%arg0: i32) -> (i32, i32) {
    %c0_i32 = arith.constant 0 : i32
    %c0_i32_0 = arith.constant 0 : i32
    %c0_i32_1 = arith.constant 0 : i32
    return %c0_i32, %c0_i32_0 : i32, i32
  }
  func.func @transform_1(%arg0: i32) -> (i32, i32) {
    %c0_i32 = arith.constant 0 : i32
    %c0_i32_0 = arith.constant 0 : i32
    %c0_i32_1 = arith.constant 0 : i32
    return %c0_i32, %c0_i32_0 : i32, i32
  }
  func.func @transform_2(%arg0: i32) -> (i32, i32) {
    %c0_i32 = arith.constant 0 : i32
    %c0_i32_0 = arith.constant 0 : i32
    %c0_i32_1 = arith.constant 0 : i32
    return %c0_i32, %c0_i32_0 : i32, i32
  }
  func.func @transform_3(%arg0: i32) -> (i32, i32) {
    %c0_i32 = arith.constant 0 : i32
    %c0_i32_0 = arith.constant 0 : i32
    %c0_i32_1 = arith.constant 0 : i32
    return %c0_i32, %c0_i32_0 : i32, i32
  }
  func.func @transform_4(%arg0: i32) -> (i32, i32) {
    %c0_i32 = arith.constant 0 : i32
    %c0_i32_0 = arith.constant 0 : i32
    %c0_i32_1 = arith.constant 0 : i32
    return %c0_i32, %c0_i32_0 : i32, i32
  }
  func.func @transform_5(%arg0: i32) -> (i32, i32) {
    %c0_i32 = arith.constant 0 : i32
    %c0_i32_0 = arith.constant 0 : i32
    %c0_i32_1 = arith.constant 0 : i32
    return %c0_i32, %c0_i32_0 : i32, i32
  }
  func.func @transform_6(%arg0: i32) -> (i32, i32) {
    %c0_i32 = arith.constant 0 : i32
    %c0_i32_0 = arith.constant 0 : i32
    %c0_i32_1 = arith.constant 0 : i32
    return %c0_i32, %c0_i32_0 : i32, i32
  }
  func.func @transform_7(%arg0: i32) -> (i32, i32) {
    %c0_i32 = arith.constant 0 : i32
    %c0_i32_0 = arith.constant 0 : i32
    return %arg0, %c0_i32 : i32, i32
  }
}

</mosaic_0001>

<sc_bundles>
// kernel: kernel.4.cloned.1.call-start
scs
__scs_entry_jumppad:
0x0: {  	(pc) =	sbr.rel $0x88, $3  }
0x1: {  	(tag) =	ssettag $0x0;
	lr =	simm.s32 $0x1  }
0x2: {  	[smem:$0x3F9A] =	sst lr;
	_ =	strace $0xD0000000  }
0x3: {  	_ = 	snop  }
0x4: {  	_ = 	snop  }
0x5: {  	_ = 	snop  }
0x6: {  	_ = 	snop  }
0x7: {  	_ = 	snop  }
__scs_overlays_trampoline_lowered:
0x8: {  	[smem:$0x3FA9] =	sst s0  }
0x9: {  	[smem:$0x3FAA] =	sst s1  }
0xa: {  	[smem:$0x3FAB] =	sst s2  }
0xb: {  	[smem:$0x3FAC] =	sst s3  }
0xc: {  	[smem:$0x3FAD] =	sst s4  }
0xd: {  	[smem:$0x3FAE] =	sst s5  }
0xe: {  	[smem:$0x3FAF] =	sst s6  }
0xf: {  	[smem:$0x3FB0] =	sst s7  }
0x10: {  	[smem:$0x3FB1] =	sst s8  }
0x11: {  	[smem:$0x3FB2] =	sst s9;
	s0 =	simm.s32 @!p0 $0x0  }
0x12: {  	s1 =	sld [smem:$0x3F98];
	s0 =	simm.s32 @p0 $0x1  }
0x13: {  	[smem:$0x3FB3] =	sst s0;
	s0 =	simm.s32 @!p1 $0x0  }
0x14: {  	s2 =	sld [smem:$0x3F97];
	s0 =	simm.s32 @p1 $0x1  }
0x15: {  	[smem:$0x3FB4] =	sst s0;
	s0 =	simm.s32 @!p2 $0x0  }
0x16: {  	s3 =	sld [smem:$0x3FDB];
	s0 =	simm.s32 @p2 $0x1  }
0x17: {  	s4 =	simm.s32 $0x1BF5;
	[smem:$0x3FB6] =	sst s0  }
0x18: {  	s0 =	sld [smem:$0x3F99];
	_ =	swait.ge [sflag:s4], $0x0  }
0x19: {  	s7 =	sld [smem:$0x3F9A]  }
0x1a: {  	s8 =	sadd.s32 $0xFFFFE003, lr  }
0x1b: {  	s9 =	sadd.s32 $0xFFFFFEF7, lr;
	s5 =	simm.s32 $0xFFFFFFFF;
	p2 =	slt.u32 s8, $0xFFFFF086  }
0x1c: {  	p1 =	slt.u32 s9, $0xF7A;
	s5 =	simm.s32 @!p2 $0x0  }
0x1d: {  	s5 =	simm.s32 @p1 $0x1;
	p0 =	seq.s32 s7, s2  }
0x1e: {  	s7 =	smul.u32 @!p0 $0xF7A, s2;
	p2 =	seq.s32 @!p0 s5, $0x0  }
0x1f: {  	s9 =	smul.u32 $0xF7A, s1;
	s8 =	simm.s32 @!p0 $0x1BF5;
	p2 =	por !p2, p0  }
0x20: {  	[sflag:s8] =	ssyncset.s32 @!p0 $0xFFFFF086;
	s6 =	sadd.s32 @!p0 s3, s7;
	s7 =	simm.s32 @!p0 $0x108  }
0x21: {  	s3 =	sadd.s32 s3, s9;
	s6 =	sadd.s32 @!p0 $0x88, s6;
	s7 =	simm.s32 @p2 $0x1082  }
0x22: {  	[simem:s7], [sflag:s8] =	dma.local @!p0 [hbm:s6], $0xF7A  }
0x23: {  	s9 =	sor.u32 $0xD0000000, s2;
	s6 =	simm.s32 $0x108;
	_ =	swait.ge @!p0 [sflag:s8], $0x0  }
0x24: {  	s3 =	sadd.s32 $0x88, s3;
	s6 =	simm.s32 @!p1 $0x1082;
	[sflag:s4] =	ssyncset.s32 $0xFFFFF086  }
0x25: {  	[simem:s6], [sflag:s4] =	dma.local [hbm:s3], $0xF7A  }
0x26: {  	[smem:$0x3F9A] =	sst s1;
	(tag) =	ssettag s2;
	_ =	strace s9  }
0x27: {  	s1 =	sld [smem:$0x3FAA]  }
0x28: {  	s2 =	sld [smem:$0x3FAB]  }
0x29: {  	s4 =	sld [smem:$0x3FAD]  }
0x2a: {  	p0 =	seq.s32 s5, $0x0;
	s5 =	sld [smem:$0x3FAE]  }
0x2b: {  	s6 =	sld [smem:$0x3FAF]  }
0x2c: {  	s7 =	sld [smem:$0x3FB0]  }
0x2d: {  	s3 =	simm.s32 $0x108;
	s8 =	sld [smem:$0x3FB1]  }
0x2e: {  	s3 =	simm.s32 @!p0 $0x1082;
	s9 =	sld [smem:$0x3FB2]  }
0x2f: {  	lr =	sadd.s32 s0, s3;
	s0 =	sld [smem:$0x3FA9]  }
0x30: {  	s3 =	sld [smem:$0x3FAC]  }
0x31: {  	[smem:$0x3FB5] =	sst s10  }
0x32: {  	s10 =	sld [smem:$0x3FB3];
	_ =	sdelay $0x3  }
0x33: {  	p0 =	seq.s32 s10, $0x1;
	s10 =	sld [smem:$0x3FB5];
	_ =	sdelay $0x3  }
0x34: {  	[smem:$0x3FB5] =	sst s10  }
0x35: {  	s10 =	sld [smem:$0x3FB4];
	_ =	sdelay $0x3  }
0x36: {  	p1 =	seq.s32 s10, $0x1;
	s10 =	sld [smem:$0x3FB5];
	_ =	sdelay $0x3  }
0x37: {  	[smem:$0x3FB5] =	sst s10  }
0x38: {  	s10 =	sld [smem:$0x3FB6]  }
0x39: {  	_ = 	snop;
	(pc) =	sbr.ind lr, $3  }
0x3a: {  	_ = 	snop  }
0x3b: {  	_ = 	snop  }
0x3c: {  	p2 =	seq.s32 s10, $0x1;
	s10 =	sld [smem:$0x3FB5]  }
0x3d: {  	_ =	shalt  }
0x3e: {  	_ =	shalt  }
0x3f: {  	_ =	shalt  }
0x40: {  	_ =	shalt  }
0x41: {  	_ =	shalt  }
0x42: {  	_ =	shalt  }
0x43: {  	_ =	shalt  }
0x44: {  	_ =	shalt  }
0x45: {  	_ =	shalt  }
0x46: {  	_ =	shalt  }
0x47: {  	_ =	shalt  }
0x48: {  	_ =	shalt  }
0x49: {  	_ =	shalt  }
0x4a: {  	_ =	shalt  }
0x4b: {  	_ =	shalt  }
0x4c: {  	_ =	shalt  }
0x4d: {  	_ =	shalt  }
0x4e: {  	_ =	shalt  }
0x4f: {  	_ =	shalt  }
0x50: {  	_ =	shalt  }
0x51: {  	_ =	shalt  }
0x52: {  	_ =	shalt  }
0x53: {  	_ =	shalt  }
0x54: {  	_ =	shalt  }
0x55: {  	_ =	shalt  }
0x56: {  	_ =	shalt  }
0x57: {  	_ =	shalt  }
0x58: {  	_ =	shalt  }
0x59: {  	_ =	shalt  }
0x5a: {  	_ =	shalt  }
0x5b: {  	_ =	shalt  }
0x5c: {  	_ =	shalt  }
0x5d: {  	_ =	shalt  }
0x5e: {  	_ =	shalt  }
0x5f: {  	_ =	shalt  }
0x60: {  	_ =	shalt  }
0x61: {  	_ =	shalt  }
0x62: {  	_ =	shalt  }
0x63: {  	_ =	shalt  }
0x64: {  	_ =	shalt  }
0x65: {  	_ =	shalt  }
0x66: {  	_ =	shalt  }
0x67: {  	_ =	shalt  }
0x68: {  	_ =	shalt  }
0x69: {  	_ =	shalt  }
0x6a: {  	_ =	shalt  }
0x6b: {  	_ =	shalt  }
0x6c: {  	_ =	shalt  }
0x6d: {  	_ =	shalt  }
0x6e: {  	_ =	shalt  }
0x6f: {  	_ =	shalt  }
0x70: {  	_ =	shalt  }
0x71: {  	_ =	shalt  }
0x72: {  	_ =	shalt  }
0x73: {  	_ =	shalt  }
0x74: {  	_ =	shalt  }
0x75: {  	_ =	shalt  }
0x76: {  	_ =	shalt  }
0x77: {  	_ =	shalt  }
0x78: {  	_ =	shalt  }
0x79: {  	_ =	shalt  }
0x7a: {  	_ =	shalt  }
0x7b: {  	_ =	shalt  }
0x7c: {  	_ =	shalt  }
0x7d: {  	_ =	shalt  }
0x7e: {  	_ =	shalt  }
0x7f: {  	_ =	shalt  }
0x80: {  	_ =	shalt  }
0x81: {  	_ =	shalt  }
0x82: {  	_ =	shalt  }
0x83: {  	_ =	shalt  }
0x84: {  	_ =	shalt  }
0x85: {  	_ =	shalt  }
0x86: {  	_ =	shalt  }
0x87: {  	_ =	shalt  }
.Lfunc_end0:
.L_simem_size_0:
called_computation_lowered:
.L_overlay_start_0:
0x88: {  	s2 =	sld [smem:$0x3FD9]  }
0x89: {  	s3 =	sld [smem:$0x3FFE];
	_ =	sdelay $0x1  }
0x8a: {  	s1 =	srdreg.scid  }
0x8b: {  	s0 =	sand.u32 $0x1, s1  }
0x8c: {  	s17 =	sshll.u32 s0, $0xA;
	s2 =	sadd.s32 s3, s2  }
0x8d: {  	s2 =	sadd.s32 s2, s17  }
0x8e: {  	[smem:$0x3FC1] =	sst s2  }
0x8f: {  	_ = 	snop  }
0x90: {  	s2 =	sld [smem:$0x3FD0];
	(tm) =	ssettm $0x1  }
0x91: {  	s18 =	sld [smem:$0x3FFB];
	_ =	sdelay $0x3  }
0x92: {  	_ =	strace s18  }
0x93: {  	s3 =	sld [smem:$0x3FFC];
	_ =	sdelay $0x3  }
0x94: {  	_ =	strace s3  }
0x95: {  	s3 =	sld [smem:$0x3FFD];
	_ =	sdelay $0x3  }
0x96: {  	_ =	strace s3  }
0x97: {  	_ =	strace $0x8FFFFFFF  }
0x98: {  	s19 =	sld [smem:$0x3FDB];
	_ =	sdelay $0x1  }
0x99: {  	s4 =	simm.s32 $_scs_section_size  }
0x9a: {  	s5 =	simm.s32 $_size__tile_overlayer_lowered;
	s6 =	simm.s32 $_tile_overlayer_lowered  }
0x9b: {  	s22 =	simm.s32 $0x1BFF;
	s21 =	sshll.u32 s6, $0x1;
	s3 =	sadd.s32 s4, s19  }
0x9c: {  	s7 =	simm.s32 $0x0;
	s20 =	sshll.u32 s5, $0x1;
	s5 =	sadd.s32 s21, s3  }
0x9d: {  	[timem:s7], [sflag:s22] =	dma.local [hbm:s5], s20  }
0x9e: {  	_ =	swait.ge [sflag:s22], s20  }
0x9f: {  	s4 =	ssub.s32 $0x0, s20;
	[sflag:s22] =	ssyncset.done $0x0  }
0xa0: {  	[sflag:s22] =	ssyncadd.s32 s4;
	_ =	sdelay $0x1  }
0xa1: {  	s23 =	simm.s32 $0x1B8B  }
0xa2: {  	_ =	swait.ge [sflag:s23], $0x1  }
0xa3: {  	[sflag:s23] =	ssyncset.done $0x0  }
0xa4: {  	s25 =	simm.s32 $0x1B8E;
	s24 =	sld [smem:$0x3FFE];
	[sflag:s23] =	ssyncadd.s32 $0xFFFFFFFF  }
0xa5: {  	s26 =	simm.s32 $execute0_lowered;
	[smem:$0x3FD2] =	sst s25  }
0xa6: {  	s5 =	sshll.u32 s26, $0x1;
	_ =	strace $0x80000046;
	[dreg:$0x1] =	wrdreg $0xFFFFFFFF  }
0xa7: {  	s28 =	simm.s32 $_size_execute0_lowered;
	s3 =	sadd.s32 s3, s5;
	[dreg:$0x0] =	wrdreg $0x0  }
0xa8: {  	s5 =	sshll.u32 s28, $0x1;
	[dreg:$0x2] =	wrdreg s3  }
0xa9: {  	[dreg:$0x3] =	wrdreg s5  }
0xaa: {  	[dreg:$0x4] =	wrdreg $0xC0  }
0xab: {  	_ =	task [dreg:s7], $0x5FFFF  }
0xac: {  	[dreg:$0x1] =	wrdreg $0xFFFFFFFF  }
0xad: {  	[dreg:$0x0] =	wrdreg $0x60  }
0xae: {  	[dreg:$0x2] =	wrdreg s24  }
0xaf: {  	[dreg:$0x3] =	wrdreg s2  }
0xb0: {  	[dreg:$0x4] =	wrdreg $0x9  }
0xb1: {  	_ =	task.clear_ibuf [dreg:s7], $0x5FFFF;
	_ =	strace $0x90000046  }
0xb2: {  	s29 =	simm.s32 $0x9;
	_ =	strace $0x80000048  }
0xb3: {  	_ =	swait.ge [sflag:s29], $0x1  }
0xb4: {  	[sflag:s29] =	ssyncadd.s32 $0xFFFFFFFF  }
0xb5: {  	_ =	strace $0x90000048  }
0xb6: {  	_ =	sfence  }
0xb7: {  	s30 =	sld [smem:$0x0];
	_ =	sdelay $0x2  }
0xb8: {  	s31 =	sshll.u32 s1, $0xD;
	s1 =	sshrl.u32 s1, $0x2  }
0xb9: {  	s3 =	sand.u32 $0x4000, s31;
	s1 =	sadd.s32 s1, s30  }
0xba: {  	s0 =	sor.u32 s3, s0;
	s1 =	sshll.u32 s1, $0x11  }
0xbb: {  	s0 =	sor.u32 s1, s0  }
0xbc: {  	s0 =	sadd.s32 $0x8F2B, s0  }
0xbd: {  	[sflag:s0] =	ssyncadd.remote.s32 $0x1  }
0xbe: {  	_ =	sfence.sel $0xFFFF  }
0xbf: {  	[dreg:$0x0] =	wrdreg $0xFFFFFFFF;
	(pc) =	sbr.abs _section_cstart, $3  }
0xc0: {  	[dreg:$0x1] =	wrdreg $0xFFFFFFFF  }
0xc1: {  	_ =	task.clear_ibuf [dreg:s7], $0x2FFFF;
	_ =	strace $0x9FFFFFFF  }
0xc2: {  	(tm) =	ssettm $0x7FFFFFFF  }
0xc3: {  	_ =	shalt  }
tec
execute0_lowered:
.L_overlay_start_1:
0x0: {  	(tag) =	ssettag $0x1  }
0x1: {  	s0 =	rddreg [dreg:$0x0];
	s1 =	srdreg.scid  }
0x2: {  	s9 =	stileid.u32;
	s4 =	rddreg [dreg:$0x1]  }
0x3: {  	s2 =	simm.s32 $0x0;
	s17 =	simm.s32 $0x8000;
	s28 =	simm.s32 $0xC800  }
0x4: {  	s29 =	simm.s32 $0xD000;
	s30 =	simm.s32 $0xD800;
	s31 =	simm.s32 $0xE000  }
0x5: {  	s10 =	simm.s32 $0x11000;
	s11 =	simm.s32 $0x11800;
	s12 =	simm.s32 $0x12000  }
0x6: {  	s13 =	simm.s32 $0x12800;
	s14 =	simm.s32 $0x13000;
	s15 =	simm.s32 $0x13800  }
0x7: {  	s16 =	simm.s32 $0x3;
	s19 =	simm.s32 $0x5;
	s20 =	simm.s32 $0x6  }
0x8: {  	s23 =	simm.s32 $0x0;
	s1 =	sand.u32 $0x1, s1;
	s3 =	sshll.u32 s9, $0x1  }
0x9: {  	[smem:$0x7FF] =	sst s2;
	s26 =	sshll.u32 s9, $0x13;
	s9 =	simm.s32 $0x4000  }
0xa: {  	s5 =	sor.u32 s1, s3;
	s6 =	ssub.s32 $0x2, s1;
	_ =	strace $0x80000047  }
0xb: {  	s1 =	sshll.u32 s1, $0x12;
	s3 =	sshll.u32 s5, $0xB;
	s8 =	sshrl.u32 s6, $0x1  }
0xc: {  	s18 =	sshll.u32 s5, $0x7;
	s5 =	sshll.u32 s5, $0x12;
	s7 =	sadd.s32 s3, s0  }
0xd: {  	s3 =	sadd.s32 $0x11200, s0;
	s24 =	ssub.s32 s6, s8;
	s5 =	sadd.s32 s5, s4  }
0xe: {  	s4 =	sadd.s32 s26, s4;
	s26 =	simm.s32 $0xC000;
	s6 =	simm.s32 $0x10000  }
.Ltmp0:
0xf: {  	s8 =	simm.s32 $0x10800;
	s25 =	sadd.s32 $0x1200, s7;
	(pc) =	sbr.rel .LBB2_1-.Ltmp0, $4  }
0x10: {  	v0 =	vmov s18;
	s18 =	simm.s32 $0x4;
	s5 =	sadd.s32 $0x3F800, s5;
	[dreg:$0x3] =	wrdreg s25  }
0x11: {  	v3 =	vlaneseq.u32;
	s0 =	smax.u32 s24, $0x1;
	s7 =	sadd.s32 s1, s4;
	[dreg:$0x4] =	wrdreg s5  }
0x12: {  	vm0 =	vmmov $0xffff;
	v2 =	vshrl.u32 v3, $0x3;
	s1 =	simm.s32 $0xE800;
	s4 =	simm.s32 $0xF800;
	[dreg:$0x5] =	wrdreg s0  }
0x13: {  	v1 =	vand.u32 $0x7, v3;
	v3 =	vor.u32 $0x8, v3;
	v2 =	vmul.u32 $0x8, v2;
	s25 =	simm.s32 $0x1;
	s0 =	simm.s32 $0xF000;
	s5 =	simm.s32 $0x2  }
.LBB2_6:
0x14: {  	_ =	swait.ge [sflag:s18], $0x4000  }
0x15: {  	[sflag:s18] =	ssyncset.done $0x0  }
0x16: {  	s21 =	rddreg [dreg:$0x4];
	[sflag:s18] =	ssyncadd.s32 $0xFFFFC000  }
0x17: {  	[hbm4b:s21+s2] =	stream.linear.scatter [tilespmem:s6], [sflag:$0x8], $0x4000, $0x38;
	[tilespmem:$0x14000] =	vst v63  }
0x18: {  	_ =	swait.ge [sflag:s19], $0x4000  }
0x19: {  	[sflag:s19] =	ssyncset.done $0x0  }
0x1a: {  	[sflag:s19] =	ssyncadd.s32 $0xFFFFC000  }
0x1b: {  	_ =	swait.ge [sflag:s20], $0x4000  }
0x1c: {  	[sflag:s20] =	ssyncset.done $0x0  }
0x1d: {  	s23 =	simm.s32 $0x7;
	[sflag:s20] =	ssyncadd.s32 $0xFFFFC000  }
0x1e: {  	_ =	swait.ge [sflag:s23], $0x4000  }
0x1f: {  	[sflag:s23] =	ssyncset.done $0x0  }
0x20: {  	s22 =	simm.s32 $0x8;
	[sflag:s23] =	ssyncadd.s32 $0xFFFFC000  }
0x21: {  	_ =	swait.ge [sflag:s22], $0x4000  }
0x22: {  	s23 =	rddreg [dreg:$0x6]  }
0x23: {  	s24 =	rddreg [dreg:$0x5];
	s23 =	sadd.s32 $0x1, s23  }
0x24: {  	p0 =	sne.s32 s23, s24  }
.Ltmp1:
0x25: {  	_ = 	snop;
	(pc) =	sbr.rel @!p0 .LBB2_7-.Ltmp1, $3  }
0x26: {  	_ =	sdelay $0x1  }
0x27: {  	[sflag:s22] =	ssyncset.done $0x0  }
0x28: {  	[sflag:s22] =	ssyncadd.s32 $0xFFFFC000  }
.LBB2_1:
0x29: {  	[dreg:$0x6] =	wrdreg s23  }
0x2a: {  	s21 =	rddreg [dreg:$0x3];
	s24 =	simm.s32 $0x9  }
0x2b: {  	[tilespmem:s2], [sflag:$0x9] =	stream.linear.gather [hbm4b:s21+s2], $0x4000, $0x38;
	[tilespmem:$0x14000] =	vst v63  }
0x2c: {  	_ =	swait.ge [sflag:s24], $0x4000  }
0x2d: {  	[sflag:s24] =	ssyncset.done $0x0  }
0x2e: {  	s21 =	simm.s32 $0x0;
	[sflag:s24] =	ssyncadd.s32 $0xFFFFC000  }
0x2f: {  	v6 =	vld [tilespmem:s21+$0x0]  }
0x30: {  	v5 =	vld [tilespmem:s21+$0x10]  }
0x31: {  	s22 =	simm.s32 $0x200;
	v4 =	vld [tilespmem:s21+$0x20]  }
.LBB2_2:
0x32: {  	p0 =	sne.s32 s22, $0xFE00;
	v7 =	vld [tilespmem:s21+$0x30];
	_ =	sdelay $0x1  }
.Ltmp2:
0x33: {  	v6 =	vadd.s32 v0, v6;
	(pc) =	sbr.rel @p0 .LBB2_2-.Ltmp2, $4  }
0x34: {  	s23 =	sshra.s32 s22, $0x2;
	[tilespmem:s21+$0x0] =	vst v6;
	v5 =	vadd.s32 v0, v5  }
0x35: {  	v6 =	vld [tilespmem:s23+$0x0];
	[tilespmem:s21+$0x10] =	vst v5;
	v4 =	vadd.s32 v0, v4  }
0x36: {  	v5 =	vld [tilespmem:s23+$0x10];
	[tilespmem:s21+$0x20] =	vst v4;
	v7 =	vadd.s32 v0, v7  }
0x37: {  	s22 =	sadd.s32 $0x200, s22;
	v4 =	vld [tilespmem:s23+$0x20];
	[tilespmem:s21+$0x30] =	vst v7;
	s21 =	smov.u32 s23  }
0x38: {  	v7 =	vld [tilespmem:s21+$0x30];
	_ =	sdelay $0x1  }
0x39: {  	v6 =	vadd.s32 v0, v6  }
0x3a: {  	[tilespmem:s21+$0x0] =	vst v6;
	v5 =	vadd.s32 v0, v5  }
0x3b: {  	[tilespmem:s21+$0x10] =	vst v5;
	v4 =	vadd.s32 v0, v4  }
0x3c: {  	[tilespmem:s21+$0x20] =	vst v4;
	v4 =	vadd.s32 v0, v7  }
0x3d: {  	[tilespmem:s21+$0x30] =	vst v4  }
0x3e: {  	v4 =	vld [tilespmem:$0x0];
	_ =	sdelay $0x4  }
0x3f: {  	v5 =	vshll.u32 v4, $0x1  }
0x40: {  	v4 =	vand.u32 $0x7, v4;
	v5 =	vand.u32 $0xFFFFFFF0, v5  }
0x41: {  	v4 =	vor.u32 v4, v5  }
0x42: {  	v5 =	vperm.xlane v4, v1;
	_ =	sdelay $0x1  }
0x43: {  	v4 =	vperm.xlane v4, v3;
	v5 =	vadd.s32 v2, v5;
	_ =	sdelay $0x1  }
0x44: {  	v4 =	vadd.s32 v2, v4;
	_ =	sdelay $0x1  }
0x45: {  	s21 =	simm.s32 $0x0  }
0x46: {  	[tilespmem:s9], [sflag:$0x1] =	stream.indirect_vreg.gather [hbm4b:s3+s21], $0x80, v5, vm0, $0xb8;
	[tilespmem:$0x14000] =	vst v63  }
0x47: {  	s22 =	simm.s32 $0x4800  }
0x48: {  	[tilespmem:s22], [sflag:$0x1] =	stream.indirect_vreg.gather [hbm4b:s3+s21], $0x80, v4, vm0, $0xb8;
	[tilespmem:$0x14000] =	vst v63  }
0x49: {  	v4 =	vld [tilespmem:$0x10];
	_ =	sdelay $0x4  }
0x4a: {  	v5 =	vshll.u32 v4, $0x1  }
0x4b: {  	v4 =	vand.u32 $0x7, v4;
	v5 =	vand.u32 $0xFFFFFFF0, v5  }
0x4c: {  	v4 =	vor.u32 v4, v5  }
0x4d: {  	v5 =	vperm.xlane v4, v1;
	_ =	sdelay $0x1  }
0x4e: {  	v4 =	vperm.xlane v4, v3;
	v5 =	vadd.s32 v2, v5;
	_ =	sdelay $0x1  }
0x4f: {  	v4 =	vadd.s32 v2, v4;
	_ =	sdelay $0x1  }
0x50: {  	s24 =	simm.s32 $0x5000  }
0x51: {  	[tilespmem:s24], [sflag:$0x1] =	stream.indirect_vreg.gather [hbm4b:s3+s21], $0x80, v5, vm0, $0xb8;
	[tilespmem:$0x14000] =	vst v63  }
0x52: {  	s23 =	simm.s32 $0x5800  }
0x53: {  	[tilespmem:s23], [sflag:$0x1] =	stream.indirect_vreg.gather [hbm4b:s3+s21], $0x80, v4, vm0, $0xb8;
	[tilespmem:$0x14000] =	vst v63  }
0x54: {  	v4 =	vld [tilespmem:$0x20];
	_ =	sdelay $0x4  }
0x55: {  	v5 =	vshll.u32 v4, $0x1  }
0x56: {  	v4 =	vand.u32 $0x7, v4;
	v5 =	vand.u32 $0xFFFFFFF0, v5  }
0x57: {  	v4 =	vor.u32 v4, v5  }
0x58: {  	v5 =	vperm.xlane v4, v1;
	_ =	sdelay $0x1  }
0x59: {  	v4 =	vperm.xlane v4, v3;
	v5 =	vadd.s32 v2, v5;
	_ =	sdelay $0x1  }
0x5a: {  	v4 =	vadd.s32 v2, v4;
	_ =	sdelay $0x1  }
0x5b: {  	s24 =	simm.s32 $0x6000  }
0x5c: {  	[tilespmem:s24], [sflag:$0x1] =	stream.indirect_vreg.gather [hbm4b:s3+s21], $0x80, v5, vm0, $0xb8;
	[tilespmem:$0x14000] =	vst v63  }
0x5d: {  	s23 =	simm.s32 $0x6800  }
0x5e: {  	[tilespmem:s23], [sflag:$0x1] =	stream.indirect_vreg.gather [hbm4b:s3+s21], $0x80, v4, vm0, $0xb8;
	[tilespmem:$0x14000] =	vst v63  }
0x5f: {  	v4 =	vld [tilespmem:$0x30];
	_ =	sdelay $0x4  }
0x60: {  	v5 =	vshll.u32 v4, $0x1  }
0x61: {  	v4 =	vand.u32 $0x7, v4;
	v5 =	vand.u32 $0xFFFFFFF0, v5  }
0x62: {  	v4 =	vor.u32 v4, v5  }
0x63: {  	v5 =	vperm.xlane v4, v1;
	_ =	sdelay $0x1  }
0x64: {  	v4 =	vperm.xlane v4, v3;
	v5 =	vadd.s32 v2, v5;
	_ =	sdelay $0x1  }
0x65: {  	v4 =	vadd.s32 v2, v4;
	_ =	sdelay $0x1  }
0x66: {  	s24 =	simm.s32 $0x7000  }
0x67: {  	[tilespmem:s24], [sflag:$0x1] =	stream.indirect_vreg.gather [hbm4b:s3+s21], $0x80, v5, vm0, $0xb8;
	[tilespmem:$0x14000] =	vst v63  }
0x68: {  	s23 =	simm.s32 $0x7800  }
0x69: {  	[tilespmem:s23], [sflag:$0x1] =	stream.indirect_vreg.gather [hbm4b:s3+s21], $0x80, v4, vm0, $0xb8;
	[tilespmem:$0x14000] =	vst v63  }
0x6a: {  	v4 =	vld [tilespmem:$0x80];
	_ =	sdelay $0x4  }
0x6b: {  	v5 =	vshll.u32 v4, $0x1  }
0x6c: {  	v4 =	vand.u32 $0x7, v4;
	v5 =	vand.u32 $0xFFFFFFF0, v5  }
0x6d: {  	v4 =	vor.u32 v4, v5  }
0x6e: {  	v5 =	vperm.xlane v4, v1;
	_ =	sdelay $0x1  }
0x6f: {  	v4 =	vperm.xlane v4, v3;
	v5 =	vadd.s32 v2, v5;
	_ =	sdelay $0x1  }
0x70: {  	v4 =	vadd.s32 v2, v4;
	_ =	sdelay $0x2  }
0x71: {  	[tilespmem:s17], [sflag:$0x2] =	stream.indirect_vreg.gather [hbm4b:s3+s21], $0x80, v5, vm0, $0xb8;
	[tilespmem:$0x14000] =	vst v63  }
0x72: {  	s24 =	simm.s32 $0x8800  }
0x73: {  	[tilespmem:s24], [sflag:$0x2] =	stream.indirect_vreg.gather [hbm4b:s3+s21], $0x80, v4, vm0, $0xb8;
	[tilespmem:$0x14000] =	vst v63  }
0x74: {  	v4 =	vld [tilespmem:$0x90];
	_ =	sdelay $0x4  }
0x75: {  	v5 =	vshll.u32 v4, $0x1  }
0x76: {  	v4 =	vand.u32 $0x7, v4;
	v5 =	vand.u32 $0xFFFFFFF0, v5  }
0x77: {  	v4 =	vor.u32 v4, v5  }
0x78: {  	v5 =	vperm.xlane v4, v1;
	_ =	sdelay $0x1  }
0x79: {  	v4 =	vperm.xlane v4, v3;
	v5 =	vadd.s32 v2, v5;
	_ =	sdelay $0x1  }
0x7a: {  	v4 =	vadd.s32 v2, v4;
	_ =	sdelay $0x1  }
0x7b: {  	s23 =	simm.s32 $0x9000  }
0x7c: {  	[tilespmem:s23], [sflag:$0x2] =	stream.indirect_vreg.gather [hbm4b:s3+s21], $0x80, v5, vm0, $0xb8;
	[tilespmem:$0x14000] =	vst v63  }
0x7d: {  	s24 =	simm.s32 $0x9800  }
0x7e: {  	[tilespmem:s24], [sflag:$0x2] =	stream.indirect_vreg.gather [hbm4b:s3+s21], $0x80, v4, vm0, $0xb8;
	[tilespmem:$0x14000] =	vst v63  }
0x7f: {  	v4 =	vld [tilespmem:$0xA0];
	_ =	sdelay $0x4  }
0x80: {  	v5 =	vshll.u32 v4, $0x1  }
0x81: {  	v4 =	vand.u32 $0x7, v4;
	v5 =	vand.u32 $0xFFFFFFF0, v5  }
0x82: {  	v4 =	vor.u32 v4, v5  }
0x83: {  	v5 =	vperm.xlane v4, v1;
	_ =	sdelay $0x1  }
0x84: {  	v4 =	vperm.xlane v4, v3;
	v5 =	vadd.s32 v2, v5;
	_ =	sdelay $0x1  }
0x85: {  	v4 =	vadd.s32 v2, v4;
	_ =	sdelay $0x1  }
0x86: {  	s23 =	simm.s32 $0xA000  }
0x87: {  	[tilespmem:s23], [sflag:$0x2] =	stream.indirect_vreg.gather [hbm4b:s3+s21], $0x80, v5, vm0, $0xb8;
	[tilespmem:$0x14000] =	vst v63  }
0x88: {  	s24 =	simm.s32 $0xA800  }
0x89: {  	[tilespmem:s24], [sflag:$0x2] =	stream.indirect_vreg.gather [hbm4b:s3+s21], $0x80, v4, vm0, $0xb8;
	[tilespmem:$0x14000] =	vst v63  }
0x8a: {  	v4 =	vld [tilespmem:$0xB0];
	_ =	sdelay $0x4  }
0x8b: {  	v5 =	vshll.u32 v4, $0x1  }
0x8c: {  	v4 =	vand.u32 $0x7, v4;
	v5 =	vand.u32 $0xFFFFFFF0, v5  }
0x8d: {  	v4 =	vor.u32 v4, v5  }
0x8e: {  	v5 =	vperm.xlane v4, v1;
	_ =	sdelay $0x1  }
0x8f: {  	v4 =	vperm.xlane v4, v3;
	v5 =	vadd.s32 v2, v5;
	_ =	sdelay $0x1  }
0x90: {  	v4 =	vadd.s32 v2, v4;
	_ =	sdelay $0x1  }
0x91: {  	s23 =	simm.s32 $0xB000  }
0x92: {  	[tilespmem:s23], [sflag:$0x2] =	stream.indirect_vreg.gather [hbm4b:s3+s21], $0x80, v5, vm0, $0xb8;
	[tilespmem:$0x14000] =	vst v63  }
0x93: {  	s22 =	simm.s32 $0x180;
	s24 =	simm.s32 $0xB800  }
0x94: {  	[tilespmem:s24], [sflag:$0x2] =	stream.indirect_vreg.gather [hbm4b:s3+s21], $0x80, v4, vm0, $0xb8;
	[tilespmem:$0x14000] =	vst v63  }
.LBB2_4:
0x95: {  	_ =	swait.ge [sflag:s25], $0x4000  }
0x96: {  	p0 =	seq.s32 s21, $0x0;
	[sflag:s25] =	ssyncset.done $0x0  }
0x97: {  	s23 =	sadd.s32 s21, s7;
	s24 =	simm.s32 @!p0 $0x7;
	[sflag:s25] =	ssyncadd.s32 $0xFFFFC000  }
0x98: {  	[hbm4b:s23+s2] =	stream.linear.scatter [tilespmem:s9], [sflag:$0x5], $0x4000, $0x38;
	[tilespmem:$0x14000] =	vst v63  }
0x99: {  	_ =	swait.ge @!p0 [sflag:s24], $0x4000  }
0x9a: {  	[sflag:s24] =	ssyncset.done @!p0 $0x0  }
0x9b: {  	[sflag:s24] =	ssyncadd.s32 @!p0 $0xFFFFC000  }
0x9c: {  	v4 =	vld [tilespmem:s22+$0xFFFFFF80];
	_ =	sdelay $0x4  }
0x9d: {  	v5 =	vshll.u32 v4, $0x1  }
0x9e: {  	v4 =	vand.u32 $0x7, v4;
	v5 =	vand.u32 $0xFFFFFFF0, v5  }
0x9f: {  	v4 =	vor.u32 v4, v5  }
0xa0: {  	v5 =	vperm.xlane v4, v1;
	_ =	sdelay $0x1  }
0xa1: {  	v4 =	vperm.xlane v4, v3;
	v5 =	vadd.s32 v2, v5;
	_ =	sdelay $0x1  }
0xa2: {  	v4 =	vadd.s32 v2, v4;
	_ =	sdelay $0x2  }
0xa3: {  	[tilespmem:s26], [sflag:$0x3] =	stream.indirect_vreg.gather [hbm4b:s3+s2], $0x80, v5, vm0, $0xb8;
	[tilespmem:$0x14000] =	vst v63  }
0xa4: {  	_ = 	snop  }
0xa5: {  	[tilespmem:s28], [sflag:$0x3] =	stream.indirect_vreg.gather [hbm4b:s3+s2], $0x80, v4, vm0, $0xb8;
	[tilespmem:$0x14000] =	vst v63  }
0xa6: {  	v4 =	vld [tilespmem:s22+$0xFFFFFF90];
	_ =	sdelay $0x4  }
0xa7: {  	v5 =	vshll.u32 v4, $0x1  }
0xa8: {  	v4 =	vand.u32 $0x7, v4;
	v5 =	vand.u32 $0xFFFFFFF0, v5  }
0xa9: {  	v4 =	vor.u32 v4, v5  }
0xaa: {  	v5 =	vperm.xlane v4, v1;
	_ =	sdelay $0x1  }
0xab: {  	v4 =	vperm.xlane v4, v3;
	v5 =	vadd.s32 v2, v5;
	_ =	sdelay $0x1  }
0xac: {  	v4 =	vadd.s32 v2, v4;
	_ =	sdelay $0x2  }
0xad: {  	[tilespmem:s29], [sflag:$0x3] =	stream.indirect_vreg.gather [hbm4b:s3+s2], $0x80, v5, vm0, $0xb8;
	[tilespmem:$0x14000] =	vst v63  }
0xae: {  	_ = 	snop  }
0xaf: {  	[tilespmem:s30], [sflag:$0x3] =	stream.indirect_vreg.gather [hbm4b:s3+s2], $0x80, v4, vm0, $0xb8;
	[tilespmem:$0x14000] =	vst v63  }
0xb0: {  	v4 =	vld [tilespmem:s22+$0xFFFFFFA0];
	_ =	sdelay $0x4  }
0xb1: {  	v5 =	vshll.u32 v4, $0x1  }
0xb2: {  	v4 =	vand.u32 $0x7, v4;
	v5 =	vand.u32 $0xFFFFFFF0, v5  }
0xb3: {  	v4 =	vor.u32 v4, v5  }
0xb4: {  	v5 =	vperm.xlane v4, v1;
	_ =	sdelay $0x1  }
0xb5: {  	v4 =	vperm.xlane v4, v3;
	v5 =	vadd.s32 v2, v5;
	_ =	sdelay $0x1  }
0xb6: {  	v4 =	vadd.s32 v2, v4;
	_ =	sdelay $0x2  }
0xb7: {  	[tilespmem:s31], [sflag:$0x3] =	stream.indirect_vreg.gather [hbm4b:s3+s2], $0x80, v5, vm0, $0xb8;
	[tilespmem:$0x14000] =	vst v63  }
0xb8: {  	_ = 	snop  }
0xb9: {  	[tilespmem:s1], [sflag:$0x3] =	stream.indirect_vreg.gather [hbm4b:s3+s2], $0x80, v4, vm0, $0xb8;
	[tilespmem:$0x14000] =	vst v63  }
0xba: {  	v4 =	vld [tilespmem:s22+$0xFFFFFFB0];
	_ =	sdelay $0x4  }
0xbb: {  	v5 =	vshll.u32 v4, $0x1  }
0xbc: {  	v4 =	vand.u32 $0x7, v4;
	v5 =	vand.u32 $0xFFFFFFF0, v5  }
0xbd: {  	v4 =	vor.u32 v4, v5  }
0xbe: {  	v5 =	vperm.xlane v4, v1;
	_ =	sdelay $0x1  }
0xbf: {  	v4 =	vperm.xlane v4, v3;
	v5 =	vadd.s32 v2, v5;
	_ =	sdelay $0x1  }
0xc0: {  	v4 =	vadd.s32 v2, v4;
	_ =	sdelay $0x2  }
0xc1: {  	[tilespmem:s0], [sflag:$0x3] =	stream.indirect_vreg.gather [hbm4b:s3+s2], $0x80, v5, vm0, $0xb8;
	[tilespmem:$0x14000] =	vst v63  }
0xc2: {  	_ = 	snop  }
0xc3: {  	[tilespmem:s4], [sflag:$0x3] =	stream.indirect_vreg.gather [hbm4b:s3+s2], $0x80, v4, vm0, $0xb8;
	[tilespmem:$0x14000] =	vst v63  }
0xc4: {  	_ =	swait.ge [sflag:s5], $0x4000  }
0xc5: {  	[sflag:s5] =	ssyncset.done $0x0  }
0xc6: {  	s24 =	sadd.s32 $0x800, s23;
	[sflag:s5] =	ssyncadd.s32 $0xFFFFC000  }
0xc7: {  	[hbm4b:s24+s2] =	stream.linear.scatter [tilespmem:s17], [sflag:$0x6], $0x4000, $0x38;
	[tilespmem:$0x14000] =	vst v63  }
0xc8: {  	s24 =	simm.s32 @!p0 $0x8  }
0xc9: {  	_ =	swait.ge @!p0 [sflag:s24], $0x4000  }
0xca: {  	[sflag:s24] =	ssyncset.done @!p0 $0x0  }
0xcb: {  	[sflag:s24] =	ssyncadd.s32 @!p0 $0xFFFFC000  }
0xcc: {  	v4 =	vld [tilespmem:s22+$0x0];
	_ =	sdelay $0x4  }
0xcd: {  	v5 =	vshll.u32 v4, $0x1  }
0xce: {  	v4 =	vand.u32 $0x7, v4;
	v5 =	vand.u32 $0xFFFFFFF0, v5  }
0xcf: {  	v4 =	vor.u32 v4, v5  }
0xd0: {  	v5 =	vperm.xlane v4, v1;
	_ =	sdelay $0x1  }
0xd1: {  	v4 =	vperm.xlane v4, v3;
	v5 =	vadd.s32 v2, v5;
	_ =	sdelay $0x1  }
0xd2: {  	v4 =	vadd.s32 v2, v4;
	_ =	sdelay $0x2  }
0xd3: {  	[tilespmem:s6], [sflag:$0x4] =	stream.indirect_vreg.gather [hbm4b:s3+s2], $0x80, v5, vm0, $0xb8;
	[tilespmem:$0x14000] =	vst v63  }
0xd4: {  	_ = 	snop  }
0xd5: {  	[tilespmem:s8], [sflag:$0x4] =	stream.indirect_vreg.gather [hbm4b:s3+s2], $0x80, v4, vm0, $0xb8;
	[tilespmem:$0x14000] =	vst v63  }
0xd6: {  	v4 =	vld [tilespmem:s22+$0x10];
	_ =	sdelay $0x4  }
0xd7: {  	v5 =	vshll.u32 v4, $0x1  }
0xd8: {  	v4 =	vand.u32 $0x7, v4;
	v5 =	vand.u32 $0xFFFFFFF0, v5  }
0xd9: {  	v4 =	vor.u32 v4, v5  }
0xda: {  	v5 =	vperm.xlane v4, v1;
	_ =	sdelay $0x1  }
0xdb: {  	v4 =	vperm.xlane v4, v3;
	v5 =	vadd.s32 v2, v5;
	_ =	sdelay $0x1  }
0xdc: {  	v4 =	vadd.s32 v2, v4;
	_ =	sdelay $0x2  }
0xdd: {  	[tilespmem:s10], [sflag:$0x4] =	stream.indirect_vreg.gather [hbm4b:s3+s2], $0x80, v5, vm0, $0xb8;
	[tilespmem:$0x14000] =	vst v63  }
0xde: {  	_ = 	snop  }
0xdf: {  	[tilespmem:s11], [sflag:$0x4] =	stream.indirect_vreg.gather [hbm4b:s3+s2], $0x80, v4, vm0, $0xb8;
	[tilespmem:$0x14000] =	vst v63  }
0xe0: {  	v4 =	vld [tilespmem:s22+$0x20];
	_ =	sdelay $0x4  }
0xe1: {  	v5 =	vshll.u32 v4, $0x1  }
0xe2: {  	v4 =	vand.u32 $0x7, v4;
	v5 =	vand.u32 $0xFFFFFFF0, v5  }
0xe3: {  	v4 =	vor.u32 v4, v5  }
0xe4: {  	v5 =	vperm.xlane v4, v1;
	_ =	sdelay $0x1  }
0xe5: {  	v4 =	vperm.xlane v4, v3;
	v5 =	vadd.s32 v2, v5;
	_ =	sdelay $0x1  }
0xe6: {  	v4 =	vadd.s32 v2, v4;
	_ =	sdelay $0x2  }
0xe7: {  	[tilespmem:s12], [sflag:$0x4] =	stream.indirect_vreg.gather [hbm4b:s3+s2], $0x80, v5, vm0, $0xb8;
	[tilespmem:$0x14000] =	vst v63  }
0xe8: {  	_ = 	snop  }
0xe9: {  	[tilespmem:s13], [sflag:$0x4] =	stream.indirect_vreg.gather [hbm4b:s3+s2], $0x80, v4, vm0, $0xb8;
	[tilespmem:$0x14000] =	vst v63  }
0xea: {  	v4 =	vld [tilespmem:s22+$0x30];
	_ =	sdelay $0x4  }
0xeb: {  	v5 =	vshll.u32 v4, $0x1  }
0xec: {  	v4 =	vand.u32 $0x7, v4;
	v5 =	vand.u32 $0xFFFFFFF0, v5  }
0xed: {  	v4 =	vor.u32 v4, v5  }
0xee: {  	v5 =	vperm.xlane v4, v1;
	_ =	sdelay $0x1  }
0xef: {  	v4 =	vperm.xlane v4, v3;
	v5 =	vadd.s32 v2, v5;
	_ =	sdelay $0x1  }
0xf0: {  	v4 =	vadd.s32 v2, v4;
	_ =	sdelay $0x2  }
0xf1: {  	[tilespmem:s14], [sflag:$0x4] =	stream.indirect_vreg.gather [hbm4b:s3+s2], $0x80, v5, vm0, $0xb8;
	[tilespmem:$0x14000] =	vst v63  }
0xf2: {  	p0 =	seq.s32 s21, $0x3E000  }
0xf3: {  	[tilespmem:s15], [sflag:$0x4] =	stream.indirect_vreg.gather [hbm4b:s3+s2], $0x80, v4, vm0, $0xb8;
	[tilespmem:$0x14000] =	vst v63  }
.Ltmp3:
0xf4: {  	_ = 	snop;
	(pc) =	sbr.rel @p0 .LBB2_6-.Ltmp3, $4  }
0xf5: {  	_ =	swait.ge [sflag:s16], $0x4000  }
0xf6: {  	[sflag:s16] =	ssyncset.done $0x0  }
0xf7: {  	s24 =	sadd.s32 $0x1000, s23;
	[sflag:s16] =	ssyncadd.s32 $0xFFFFC000  }
0xf8: {  	[hbm4b:s24+s2] =	stream.linear.scatter [tilespmem:s26], [sflag:$0x7], $0x4000, $0x38;
	[tilespmem:$0x14000] =	vst v63  }
0xf9: {  	_ =	swait.ge [sflag:s19], $0x4000  }
0xfa: {  	[sflag:s19] =	ssyncset.done $0x0  }
0xfb: {  	[sflag:s19] =	ssyncadd.s32 $0xFFFFC000  }
0xfc: {  	v4 =	vld [tilespmem:s22+$0x80];
	_ =	sdelay $0x4  }
0xfd: {  	v5 =	vshll.u32 v4, $0x1  }
0xfe: {  	v4 =	vand.u32 $0x7, v4;
	v5 =	vand.u32 $0xFFFFFFF0, v5  }
0xff: {  	v4 =	vor.u32 v4, v5  }
0x100: {  	v5 =	vperm.xlane v4, v1;
	_ =	sdelay $0x1  }
0x101: {  	v4 =	vperm.xlane v4, v3;
	v5 =	vadd.s32 v2, v5;
	_ =	sdelay $0x1  }
0x102: {  	v4 =	vadd.s32 v2, v4;
	_ =	sdelay $0x2  }
0x103: {  	[tilespmem:s9], [sflag:$0x1] =	stream.indirect_vreg.gather [hbm4b:s3+s2], $0x80, v5, vm0, $0xb8;
	[tilespmem:$0x14000] =	vst v63  }
0x104: {  	s24 =	simm.s32 $0x4800  }
0x105: {  	[tilespmem:s24], [sflag:$0x1] =	stream.indirect_vreg.gather [hbm4b:s3+s2], $0x80, v4, vm0, $0xb8;
	[tilespmem:$0x14000] =	vst v63  }
0x106: {  	v4 =	vld [tilespmem:s22+$0x90];
	_ =	sdelay $0x4  }
0x107: {  	v5 =	vshll.u32 v4, $0x1  }
0x108: {  	v4 =	vand.u32 $0x7, v4;
	v5 =	vand.u32 $0xFFFFFFF0, v5  }
0x109: {  	v4 =	vor.u32 v4, v5  }
0x10a: {  	v5 =	vperm.xlane v4, v1;
	_ =	sdelay $0x1  }
0x10b: {  	v4 =	vperm.xlane v4, v3;
	v5 =	vadd.s32 v2, v5;
	_ =	sdelay $0x1  }
0x10c: {  	v4 =	vadd.s32 v2, v4;
	_ =	sdelay $0x1  }
0x10d: {  	s24 =	simm.s32 $0x5000  }
0x10e: {  	[tilespmem:s24], [sflag:$0x1] =	stream.indirect_vreg.gather [hbm4b:s3+s2], $0x80, v5, vm0, $0xb8;
	[tilespmem:$0x14000] =	vst v63  }
0x10f: {  	s24 =	simm.s32 $0x5800  }
0x110: {  	[tilespmem:s24], [sflag:$0x1] =	stream.indirect_vreg.gather [hbm4b:s3+s2], $0x80, v4, vm0, $0xb8;
	[tilespmem:$0x14000] =	vst v63  }
0x111: {  	v4 =	vld [tilespmem:s22+$0xA0];
	_ =	sdelay $0x4  }
0x112: {  	v5 =	vshll.u32 v4, $0x1  }
0x113: {  	v4 =	vand.u32 $0x7, v4;
	v5 =	vand.u32 $0xFFFFFFF0, v5  }
0x114: {  	v4 =	vor.u32 v4, v5  }
0x115: {  	v5 =	vperm.xlane v4, v1;
	_ =	sdelay $0x1  }
0x116: {  	v4 =	vperm.xlane v4, v3;
	v5 =	vadd.s32 v2, v5;
	_ =	sdelay $0x1  }
0x117: {  	v4 =	vadd.s32 v2, v4;
	_ =	sdelay $0x1  }
0x118: {  	s24 =	simm.s32 $0x6000  }
0x119: {  	[tilespmem:s24], [sflag:$0x1] =	stream.indirect_vreg.gather [hbm4b:s3+s2], $0x80, v5, vm0, $0xb8;
	[tilespmem:$0x14000] =	vst v63  }
0x11a: {  	s24 =	simm.s32 $0x6800  }
0x11b: {  	[tilespmem:s24], [sflag:$0x1] =	stream.indirect_vreg.gather [hbm4b:s3+s2], $0x80, v4, vm0, $0xb8;
	[tilespmem:$0x14000] =	vst v63  }
0x11c: {  	v4 =	vld [tilespmem:s22+$0xB0];
	_ =	sdelay $0x4  }
0x11d: {  	v5 =	vshll.u32 v4, $0x1  }
0x11e: {  	v4 =	vand.u32 $0x7, v4;
	v5 =	vand.u32 $0xFFFFFFF0, v5  }
0x11f: {  	v4 =	vor.u32 v4, v5  }
0x120: {  	v5 =	vperm.xlane v4, v1;
	_ =	sdelay $0x1  }
0x121: {  	v4 =	vperm.xlane v4, v3;
	v5 =	vadd.s32 v2, v5;
	_ =	sdelay $0x1  }
0x122: {  	v4 =	vadd.s32 v2, v4;
	_ =	sdelay $0x1  }
0x123: {  	s24 =	simm.s32 $0x7000  }
0x124: {  	[tilespmem:s24], [sflag:$0x1] =	stream.indirect_vreg.gather [hbm4b:s3+s2], $0x80, v5, vm0, $0xb8;
	[tilespmem:$0x14000] =	vst v63  }
0x125: {  	s24 =	simm.s32 $0x7800  }
0x126: {  	[tilespmem:s24], [sflag:$0x1] =	stream.indirect_vreg.gather [hbm4b:s3+s2], $0x80, v4, vm0, $0xb8;
	[tilespmem:$0x14000] =	vst v63  }
0x127: {  	_ =	swait.ge [sflag:s18], $0x4000  }
0x128: {  	[sflag:s18] =	ssyncset.done $0x0  }
0x129: {  	s23 =	sadd.s32 $0x1800, s23;
	[sflag:s18] =	ssyncadd.s32 $0xFFFFC000  }
0x12a: {  	[hbm4b:s23+s2] =	stream.linear.scatter [tilespmem:s6], [sflag:$0x8], $0x4000, $0x38;
	[tilespmem:$0x14000] =	vst v63  }
0x12b: {  	_ =	swait.ge [sflag:s20], $0x4000  }
0x12c: {  	[sflag:s20] =	ssyncset.done $0x0  }
0x12d: {  	[sflag:s20] =	ssyncadd.s32 $0xFFFFC000  }
0x12e: {  	v4 =	vld [tilespmem:s22+$0x100];
	_ =	sdelay $0x4  }
0x12f: {  	v5 =	vshll.u32 v4, $0x1  }
0x130: {  	v4 =	vand.u32 $0x7, v4;
	v5 =	vand.u32 $0xFFFFFFF0, v5  }
0x131: {  	v4 =	vor.u32 v4, v5  }
0x132: {  	v5 =	vperm.xlane v4, v1;
	_ =	sdelay $0x1  }
0x133: {  	v4 =	vperm.xlane v4, v3;
	v5 =	vadd.s32 v2, v5;
	_ =	sdelay $0x1  }
0x134: {  	v4 =	vadd.s32 v2, v4;
	_ =	sdelay $0x2  }
0x135: {  	[tilespmem:s17], [sflag:$0x2] =	stream.indirect_vreg.gather [hbm4b:s3+s2], $0x80, v5, vm0, $0xb8;
	[tilespmem:$0x14000] =	vst v63  }
0x136: {  	s24 =	simm.s32 $0x8800  }
0x137: {  	[tilespmem:s24], [sflag:$0x2] =	stream.indirect_vreg.gather [hbm4b:s3+s2], $0x80, v4, vm0, $0xb8;
	[tilespmem:$0x14000] =	vst v63  }
0x138: {  	v4 =	vld [tilespmem:s22+$0x110];
	_ =	sdelay $0x4  }
0x139: {  	v5 =	vshll.u32 v4, $0x1  }
0x13a: {  	v4 =	vand.u32 $0x7, v4;
	v5 =	vand.u32 $0xFFFFFFF0, v5  }
0x13b: {  	v4 =	vor.u32 v4, v5  }
0x13c: {  	v5 =	vperm.xlane v4, v1;
	_ =	sdelay $0x1  }
0x13d: {  	v4 =	vperm.xlane v4, v3;
	v5 =	vadd.s32 v2, v5;
	_ =	sdelay $0x1  }
0x13e: {  	v4 =	vadd.s32 v2, v4;
	_ =	sdelay $0x1  }
0x13f: {  	s24 =	simm.s32 $0x9000  }
0x140: {  	[tilespmem:s24], [sflag:$0x2] =	stream.indirect_vreg.gather [hbm4b:s3+s2], $0x80, v5, vm0, $0xb8;
	[tilespmem:$0x14000] =	vst v63  }
0x141: {  	s24 =	simm.s32 $0x9800  }
0x142: {  	[tilespmem:s24], [sflag:$0x2] =	stream.indirect_vreg.gather [hbm4b:s3+s2], $0x80, v4, vm0, $0xb8;
	[tilespmem:$0x14000] =	vst v63  }
0x143: {  	v4 =	vld [tilespmem:s22+$0x120];
	_ =	sdelay $0x4  }
0x144: {  	v5 =	vshll.u32 v4, $0x1  }
0x145: {  	v4 =	vand.u32 $0x7, v4;
	v5 =	vand.u32 $0xFFFFFFF0, v5  }
0x146: {  	v4 =	vor.u32 v4, v5  }
0x147: {  	v5 =	vperm.xlane v4, v1;
	_ =	sdelay $0x1  }
0x148: {  	v4 =	vperm.xlane v4, v3;
	v5 =	vadd.s32 v2, v5;
	_ =	sdelay $0x1  }
0x149: {  	v4 =	vadd.s32 v2, v4;
	_ =	sdelay $0x1  }
0x14a: {  	s24 =	simm.s32 $0xA000  }
0x14b: {  	[tilespmem:s24], [sflag:$0x2] =	stream.indirect_vreg.gather [hbm4b:s3+s2], $0x80, v5, vm0, $0xb8;
	[tilespmem:$0x14000] =	vst v63  }
0x14c: {  	s24 =	simm.s32 $0xA800  }
0x14d: {  	[tilespmem:s24], [sflag:$0x2] =	stream.indirect_vreg.gather [hbm4b:s3+s2], $0x80, v4, vm0, $0xb8;
	[tilespmem:$0x14000] =	vst v63  }
0x14e: {  	v4 =	vld [tilespmem:s22+$0x130];
	_ =	sdelay $0x4  }
0x14f: {  	v5 =	vshll.u32 v4, $0x1  }
0x150: {  	v4 =	vand.u32 $0x7, v4;
	v5 =	vand.u32 $0xFFFFFFF0, v5  }
0x151: {  	v4 =	vor.u32 v4, v5  }
0x152: {  	v5 =	vperm.xlane v4, v1;
	_ =	sdelay $0x1  }
0x153: {  	v4 =	vperm.xlane v4, v3;
	v5 =	vadd.s32 v2, v5;
	_ =	sdelay $0x1  }
0x154: {  	v4 =	vadd.s32 v2, v4  }
.Ltmp4:
0x155: {  	_ = 	snop;
	(pc) =	sbr.rel .LBB2_4-.Ltmp4, $4  }
0x156: {  	s24 =	simm.s32 $0xB000  }
0x157: {  	[tilespmem:s24], [sflag:$0x2] =	stream.indirect_vreg.gather [hbm4b:s3+s2], $0x80, v5, vm0, $0xb8;
	[tilespmem:$0x14000] =	vst v63  }
0x158: {  	s21 =	sadd.s32 $0x2000, s21;
	s22 =	sadd.s32 $0x200, s22;
	s24 =	simm.s32 $0xB800  }
0x159: {  	[tilespmem:s24], [sflag:$0x2] =	stream.indirect_vreg.gather [hbm4b:s3+s2], $0x80, v4, vm0, $0xb8;
	[tilespmem:$0x14000] =	vst v63  }
.LBB2_7:
0x15a: {  	_ =	sfence.sel $0x180000  }
0x15b: {  	[bflag:$0x0] =	sbarrier.arrive $0xFFFF  }
0x15c: {  	_ =	strace $0x90000047  }
0x15d: {  	s0 =	stileid.u32;
	[bflag:$0x2] =	sbarrier.arrive $0xFFFF  }
0x15e: {  	p0 =	sne.s32 s0, $0x0;
	s0 =	rddreg [dreg:$0x2]  }
0x15f: {  	s0 =	sadd.s32 @!p0 $0x100000, s0  }
0x160: {  	[sflag:s0] =	ssyncadd.tile.s32 @!p0 $0x1;
	_ =	shalt  }
.Lfunc_end2:
_tile_overlayer_lowered:
.L_overlay_start_2:
0x161: {  	(tag) =	ssettag $0x2  }
0x162: {  	s0 =	rddreg [dreg:$0x0];
	s2 =	stileid.u32  }
0x163: {  	s1 =	rddreg [dreg:$0x1];
	p0 =	sne.s32 s2, $0x0  }
0x164: {  	s3 =	rddreg [dreg:$0x2];
	[bflag:$0x3] =	sbarrier.arrive $0xFFFF;
	s2 =	simm.s32 @!p0 $0x1C09  }
0x165: {  	[timem:s3], [sflag:s2] =	dma.local @!p0 [hbm:s0], s1  }
0x166: {  	s0 =	simm.s32 @!p0 $0x9  }
0x167: {  	_ =	swait.ge @!p0 [sflag:s0], s1  }
0x168: {  	s1 =	ssub.s32 @!p0 $0x0, s1;
	[sflag:s0] =	ssyncset.done @!p0 $0x0  }
0x169: {  	[sflag:s0] =	ssyncadd.s32 @!p0 s1  }
0x16a: {  	[bflag:$0x3] =	sbarrier.arrive $0xFFFF  }
0x16b: {  	_ =	shalt  }

</sc_bundles>
